<compile_context>
chip_gen: v7x
topology: tpu7x:2x2x1
jax: 0.10.2.dev20260603
libtpu: 0.0.44.dev20260713+nightly
codegen_flags: <defaults>
</compile_context>

<pallas_src>
import functools

import jax
import jax.numpy as jnp
from jax import lax
from jax.experimental import pallas as pl
from jax.experimental.pallas import tpu as pltpu
import jax.experimental.pallas.tpu_sc as plsc

_N = 10000
_E = 320000
_D = 128
_H = 256
_PH = 128
_G = 64

_NB = 512
_NPAD = 10240
_NBLK = _NPAD // _NB
_CHUNK = 128
_TILES = 16
_CH = 157
_EPAD = _TILES * _CHUNK * _CH
_CHD = 79
_EPADD = 32 * _CHUNK * _CHD
_RPT = _NPAD // _TILES
_HC = _H // 2


def _deg_body(dst_hbm, out_hbm, deg_sh, ones_v, zeros_v, idx_v):
    cid = lax.axis_index("c")
    sid = lax.axis_index("s")
    wid = cid * _TILES + sid

    ones16 = jnp.ones((16,), jnp.float32)
    zero16 = jnp.zeros((16,), jnp.float32)

    def fill(i, _):
        for j in range(_HC // 16):
            ones_v[i, pl.ds(j * 16, 16)] = ones16
            zeros_v[i, pl.ds(j * 16, 16)] = zero16
        return 0

    lax.fori_loop(0, _CHUNK, fill, 0)

    def zero(i, _):
        pltpu.sync_copy(zeros_v, deg_sh.at[pl.ds(sid * _RPT + i * _CHUNK, _CHUNK)])
        return 0

    lax.fori_loop(0, _RPT // _CHUNK, zero, 0)
    plsc.subcore_barrier()

    def chunk(ch, _):
        base = wid * (_CHD * _CHUNK) + ch * _CHUNK
        pltpu.sync_copy(dst_hbm.at[pl.ds(base, _CHUNK)], idx_v)
        pltpu.sync_copy(ones_v, deg_sh.at[idx_v], add=True)
        return 0

    lax.fori_loop(0, _CHD, chunk, 0)
    plsc.subcore_barrier()

    def wout(i, _):
        r0 = sid * _RPT + i * _CHUNK
        pltpu.sync_copy(deg_sh.at[pl.ds(r0, _CHUNK)],
                        out_hbm.at[cid, pl.ds(r0, _CHUNK)])
        return 0

    lax.fori_loop(0, _RPT // _CHUNK, wout, 0)


@functools.lru_cache(maxsize=1)
def _sc_kernels():
    mesh = plsc.VectorSubcoreMesh(
        core_axis_name="c", subcore_axis_name="s",
        num_cores=2, num_subcores=16,
    )
    deg_kernel = pl.kernel(
        _deg_body,
        out_type=jax.ShapeDtypeStruct((2, _NPAD, _HC), jnp.float32),
        mesh=mesh,
        scratch_types=[
            pltpu.VMEM_SHARED((_NPAD, _HC), jnp.float32),
            pltpu.VMEM((_CHUNK, _HC), jnp.float32),
            pltpu.VMEM((_CHUNK, _HC), jnp.float32),
            pltpu.VMEM((_CHUNK,), jnp.int32),
        ],
    )
    agg_kernel = pl.kernel(
        _agg_body,
        out_type=jax.ShapeDtypeStruct((2, _NPAD, _HC), jnp.float32),
        mesh=mesh,
        scratch_types=[
            pltpu.VMEM_SHARED((_NPAD, _HC), jnp.float32),
            pltpu.VMEM((_CHUNK, _HC), jnp.float32),
            pltpu.VMEM((_CHUNK,), jnp.int32),
            pltpu.VMEM((_CHUNK,), jnp.int32),
            pltpu.VMEM((_CHUNK, _HC), jnp.float32),
            pltpu.SemaphoreType.DMA,
        ],
    )
    return deg_kernel, agg_kernel


def _agg_body(u0_hbm, u1_hbm, src_hbm, dst_hbm, out_hbm,
              acc_sh, zeros_v, sidx_v, didx_v, rows_v, sem):
    cid = lax.axis_index("c")
    sid = lax.axis_index("s")

    zero16 = jnp.zeros((16,), jnp.float32)

    def fill(i, _):
        for j in range(_HC // 16):
            zeros_v[i, pl.ds(j * 16, 16)] = zero16
        return 0

    lax.fori_loop(0, _CHUNK, fill, 0)

    def zero(i, _):
        pltpu.sync_copy(zeros_v, acc_sh.at[pl.ds(sid * _RPT + i * _CHUNK, _CHUNK)])
        return 0

    lax.fori_loop(0, _RPT // _CHUNK, zero, 0)
    plsc.subcore_barrier()

    def chunk(ch, _):
        base = sid * (_CH * _CHUNK) + ch * _CHUNK
        pltpu.sync_copy(src_hbm.at[pl.ds(base, _CHUNK)], sidx_v)
        pltpu.sync_copy(dst_hbm.at[pl.ds(base, _CHUNK)], didx_v)

        @pl.when(cid == 0)
        def _():
            pltpu.async_copy(u0_hbm.at[sidx_v], rows_v, sem).wait()

        @pl.when(cid == 1)
        def _():
            pltpu.async_copy(u1_hbm.at[sidx_v], rows_v, sem).wait()

        pltpu.sync_copy(rows_v, acc_sh.at[didx_v], add=True)
        return 0

    lax.fori_loop(0, _CH, chunk, 0)
    plsc.subcore_barrier()

    def wout(i, _):
        r0 = sid * _RPT + i * _CHUNK
        pltpu.sync_copy(acc_sh.at[pl.ds(r0, _CHUNK)],
                        out_hbm.at[cid, pl.ds(r0, _CHUNK)])
        return 0

    lax.fori_loop(0, _RPT // _CHUNK, wout, 0)



def _t1_body(x_ref, deg_ref, w1_ref, u0_ref, u1_ref):
    deg = deg_ref[0, :, 0:1] + deg_ref[1, :, 0:1]
    dis = lax.rsqrt(deg + 1.0)
    h = jnp.dot(x_ref[...], w1_ref[...], preferred_element_type=jnp.float32)
    u = h * dis
    u0_ref[...] = u[:, :_HC]
    u1_ref[...] = u[:, _HC:]


def _t2_body(y_ref, u0_ref, u1_ref, deg_ref, b1_ref, g1_ref, be1_ref, w2_ref,
             o0_ref, o1_ref):
    deg = deg_ref[0, :, 0:1] + deg_ref[1, :, 0:1]
    dis = lax.rsqrt(deg + 1.0)
    y = jnp.concatenate(
        [y_ref[0] + u0_ref[...], y_ref[1] + u1_ref[...]], axis=-1)
    t = y * dis + b1_ref[...]
    mu = jnp.mean(t, axis=-1, keepdims=True)
    var = jnp.mean((t - mu) ** 2, axis=-1, keepdims=True)
    t = (t - mu) * lax.rsqrt(var + 1e-5) * g1_ref[...] + be1_ref[...]
    t = jnp.maximum(t, 0.0)
    h2 = jnp.dot(t, w2_ref[...], preferred_element_type=jnp.float32)
    u = h2 * dis
    o0_ref[...] = u[:, :_HC]
    o1_ref[...] = u[:, _HC:]


def _t3_body(y_ref, u0_ref, u1_ref, deg_ref, batch_ref, b2_ref, g2_ref,
             be2_ref, wg1_ref, bg1_ref, wg2_ref, bg2_ref, wc1_ref, bc1_ref,
             wc2_ref, bc2_ref, out_ref, m_scr, den_scr, num_scr):
    i = pl.program_id(0)

    @pl.when(i == 0)
    def _():
        m_scr[...] = jnp.full_like(m_scr[...], -jnp.inf)
        den_scr[...] = jnp.zeros_like(den_scr[...])
        num_scr[...] = jnp.zeros_like(num_scr[...])

    deg = deg_ref[0, :, 0:1] + deg_ref[1, :, 0:1]
    dis = lax.rsqrt(deg + 1.0)
    y = jnp.concatenate(
        [y_ref[0] + u0_ref[...], y_ref[1] + u1_ref[...]], axis=-1)
    t = y * dis + b2_ref[...]
    mu = jnp.mean(t, axis=-1, keepdims=True)
    var = jnp.mean((t - mu) ** 2, axis=-1, keepdims=True)
    h = (t - mu) * lax.rsqrt(var + 1e-5) * g2_ref[...] + be2_ref[...]
    h = jnp.maximum(h, 0.0)

    z = jnp.maximum(
        jnp.dot(h, wg1_ref[...], preferred_element_type=jnp.float32)
        + bg1_ref[...], 0.0)
    gate = (jnp.dot(z, wg2_ref[...], preferred_element_type=jnp.float32)
            + bg2_ref[0, 0])

    b = batch_ref[0, 0, :]
    seg = lax.broadcasted_iota(jnp.int32, (1, 128), 1)
    onehot = b[:, None] == seg
    gmat = jnp.where(onehot, gate, -jnp.inf)
    bmax = jnp.max(gmat, axis=0, keepdims=True)

    m_old = m_scr[0:1, :]
    m_new = jnp.maximum(m_old, bmax)
    scale = jnp.where(m_old == -jnp.inf, 0.0, jnp.exp(m_old - m_new))
    e = jnp.where(onehot, jnp.exp(gmat - m_new), 0.0)

    den_scr[0:1, :] = den_scr[0:1, :] * scale + jnp.sum(e, axis=0, keepdims=True)
    num_scr[...] = num_scr[...] * scale + lax.dot_general(
        h, e, (((0,), (0,)), ((), ())),
        preferred_element_type=jnp.float32)
    m_scr[0:1, :] = m_new

    @pl.when(i == _NBLK - 1)
    def _():
        den = den_scr[0:1, :]
        pooled = jnp.where(den > 0.0, num_scr[...] / den, 0.0)
        zz = jnp.maximum(
            lax.dot_general(pooled, wc1_ref[...], (((0,), (0,)), ((), ())),
                            preferred_element_type=jnp.float32)
            + bc1_ref[...], 0.0)
        res = (jnp.dot(zz, wc2_ref[...], preferred_element_type=jnp.float32)
               + bc2_ref[...])
        out_ref[...] = res[:_G, :]


def _full(deg_spec, row_spec):
    return deg_spec, row_spec


def kernel(x, edge_index, batch, W1, b1, g1, be1, W2, b2, g2, be2,
           Wg1, bg1, Wg2, bg2, Wc1, bc1, Wc2, bc2):
    f32 = jnp.float32
    x_pad = jnp.pad(x, ((0, _NPAD - _N), (0, 0)))
    batch_pad = jnp.pad(batch.astype(jnp.int32), (0, _NPAD - _N),
                        constant_values=_G)
    batch_r = batch_pad.reshape(_NBLK, 1, _NB)

    src = edge_index[0].astype(jnp.int32)
    dst = edge_index[1].astype(jnp.int32)
    npad_e = _EPAD - _E
    pad_idx = _N + (jnp.arange(npad_e, dtype=jnp.int32) % (_NPAD - _N))
    src_p = jnp.concatenate([src, pad_idx])
    dst_p = jnp.concatenate([dst, pad_idx])
    npad_d = _EPADD - _E
    pad_idx_d = _N + (jnp.arange(npad_d, dtype=jnp.int32) % (_NPAD - _N))
    dst_d = jnp.concatenate([dst, pad_idx_d])

    deg_kernel, agg_kernel = _sc_kernels()
    deg = deg_kernel(dst_d)

    row = lambda i: (i, 0)
    c3 = lambda i: (0, i, 0)
    const2 = lambda i: (0, 0)

    u1a, u1b = pl.pallas_call(
        _t1_body,
        grid=(_NBLK,),
        in_specs=[
            pl.BlockSpec((_NB, _D), row),
            pl.BlockSpec((2, _NB, _HC), c3),
            pl.BlockSpec((_D, _H), const2),
        ],
        out_specs=[
            pl.BlockSpec((_NB, _HC), row),
            pl.BlockSpec((_NB, _HC), row),
        ],
        out_shape=[
            jax.ShapeDtypeStruct((_NPAD, _HC), f32),
            jax.ShapeDtypeStruct((_NPAD, _HC), f32),
        ],
    )(x_pad, deg, W1)

    y1 = agg_kernel(u1a, u1b, src_p, dst_p)

    u2a, u2b = pl.pallas_call(
        _t2_body,
        grid=(_NBLK,),
        in_specs=[
            pl.BlockSpec((2, _NB, _HC), c3),
            pl.BlockSpec((_NB, _HC), row),
            pl.BlockSpec((_NB, _HC), row),
            pl.BlockSpec((2, _NB, _HC), c3),
            pl.BlockSpec((1, _H), const2),
            pl.BlockSpec((1, _H), const2),
            pl.BlockSpec((1, _H), const2),
            pl.BlockSpec((_H, _H), const2),
        ],
        out_specs=[
            pl.BlockSpec((_NB, _HC), row),
            pl.BlockSpec((_NB, _HC), row),
        ],
        out_shape=[
            jax.ShapeDtypeStruct((_NPAD, _HC), f32),
            jax.ShapeDtypeStruct((_NPAD, _HC), f32),
        ],
    )(y1, u1a, u1b, deg, b1.reshape(1, _H), g1.reshape(1, _H),
      be1.reshape(1, _H), W2)

    y2 = agg_kernel(u2a, u2b, src_p, dst_p)

    out = pl.pallas_call(
        _t3_body,
        grid=(_NBLK,),
        in_specs=[
            pl.BlockSpec((2, _NB, _HC), c3),
            pl.BlockSpec((_NB, _HC), row),
            pl.BlockSpec((_NB, _HC), row),
            pl.BlockSpec((2, _NB, _HC), c3),
            pl.BlockSpec((1, 1, _NB), lambda i: (i, 0, 0)),
            pl.BlockSpec((1, _H), const2),
            pl.BlockSpec((1, _H), const2),
            pl.BlockSpec((1, _H), const2),
            pl.BlockSpec((_H, _PH), const2),
            pl.BlockSpec((1, _PH), const2),
            pl.BlockSpec((_PH, 1), const2),
            pl.BlockSpec((1, 1), const2),
            pl.BlockSpec((_H, _PH), const2),
            pl.BlockSpec((1, _PH), const2),
            pl.BlockSpec((_PH, 2), const2),
            pl.BlockSpec((1, 2), const2),
        ],
        out_specs=pl.BlockSpec((_G, 2), const2),
        out_shape=jax.ShapeDtypeStruct((_G, 2), f32),
        scratch_shapes=[
            pltpu.VMEM((8, 128), f32),
            pltpu.VMEM((8, 128), f32),
            pltpu.VMEM((_H, 128), f32),
        ],
    )(y2, u2a, u2b, deg, batch_r, b2.reshape(1, _H), g2.reshape(1, _H),
      be2.reshape(1, _H), Wg1, bg1.reshape(1, _PH), Wg2, bg2.reshape(1, 1),
      Wc1, bc1.reshape(1, _PH), Wc2, bc2.reshape(1, 2))

    return out

# --- scband reference (transcript-rebuilt; emitter-appended) ---
"""Pipeline reference for scband-multi-gnn-26869315404011 (READ-ONLY COPY).

The authoritative reference and input builder live on the scoring server;
editing this copy changes nothing except your own understanding.
"""

import jax, jax.numpy as jnp
import numpy as np

N = 10000
E = 320000
D = 128
H = 256
PH = 128
G = 64


def _lin_init(key, fin, fout):
    kw, kb = jax.random.split(key)
    w = jax.random.normal(kw, (fin, fout), dtype=jnp.float32) * (1.0 / np.sqrt(fin))
    b = jax.random.normal(kb, (fout,), dtype=jnp.float32) * 0.01
    return w, b


def setup_inputs(seed: int = 0) -> dict:
    key = jax.random.key(seed)
    ks = jax.random.split(key, 12)
    x = jax.random.normal(ks[0], (N, D), dtype=jnp.float32)
    edge_index = jax.random.randint(ks[1], (2, E), 0, N, dtype=jnp.int32)
    batch = jnp.sort(jax.random.randint(ks[2], (N,), 0, G, dtype=jnp.int32))
    W1, b1 = _lin_init(ks[3], D, H)
    W2, b2 = _lin_init(ks[4], H, H)
    g1 = jnp.ones((H,), dtype=jnp.float32)
    be1 = jnp.zeros((H,), dtype=jnp.float32)
    g2 = jnp.ones((H,), dtype=jnp.float32)
    be2 = jnp.zeros((H,), dtype=jnp.float32)
    Wg1, bg1 = _lin_init(ks[5], H, PH)
    Wg2, bg2 = _lin_init(ks[6], PH, 1)
    Wc1, bc1 = _lin_init(ks[7], H, PH)
    Wc2, bc2 = _lin_init(ks[8], PH, 2)
    return {
        "x": x, "edge_index": edge_index, "batch": batch,
        "W1": W1, "b1": b1, "g1": g1, "be1": be1,
        "W2": W2, "b2": b2, "g2": g2, "be2": be2,
        "Wg1": Wg1, "bg1": bg1, "Wg2": Wg2, "bg2": bg2,
        "Wc1": Wc1, "bc1": bc1, "Wc2": Wc2, "bc2": bc2,
    }


def _layer_norm(x, g, b, eps=1e-5):
    mu = jnp.mean(x, axis=-1, keepdims=True)
    var = jnp.mean((x - mu) ** 2, axis=-1, keepdims=True)
    return (x - mu) / jnp.sqrt(var + eps) * g + b


def _gcn_conv(x, src, dst, W, b):
    n = x.shape[0]
    sl = jnp.arange(n, dtype=src.dtype)
    s = jnp.concatenate([src, sl])
    d = jnp.concatenate([dst, sl])
    deg = jnp.zeros((n,), x.dtype).at[d].add(1.0)
    dis = jnp.where(deg > 0, 1.0 / jnp.sqrt(deg), 0.0)
    norm = dis[s] * dis[d]
    h = x @ W
    out = jnp.zeros((n, W.shape[1]), x.dtype).at[d].add(h[s] * norm[:, None])
    return out + b


def reference(x, edge_index, batch, W1, b1, g1, be1, W2, b2, g2, be2,
              Wg1, bg1, Wg2, bg2, Wc1, bc1, Wc2, bc2):
    src, dst = edge_index[0], edge_index[1]
    h = _gcn_conv(x, src, dst, W1, b1)
    h = _layer_norm(h, g1, be1)
    h = jax.nn.relu(h)
    # dropout is identity in eval mode
    h = _gcn_conv(h, src, dst, W2, b2)
    h = _layer_norm(h, g2, be2)
    h = jax.nn.relu(h)
    # GlobalAttention pooling: gate_nn -> segment softmax -> weighted segment sum
    gate = (jax.nn.relu(h @ Wg1 + bg1) @ Wg2 + bg2)[:, 0]
    m = jax.ops.segment_max(gate, batch, num_segments=G)
    m = jnp.where(jnp.isfinite(m), m, 0.0)
    e = jnp.exp(gate - m[batch])
    den = jax.ops.segment_sum(e, batch, num_segments=G)
    alpha = e / den[batch]
    pooled = jax.ops.segment_sum(h * alpha[:, None], batch, num_segments=G)
    out = jax.nn.relu(pooled @ Wc1 + bc1) @ Wc2 + bc2
    return out

if __name__ == "__main__":
    import jax
    _d = setup_inputs()
    print(jax.jit(kernel)(*tuple(_d.values())))

</pallas_src>

<mosaic_0001>
#map = affine_map<(d0, d1) -> (0, 0)>
#map1 = affine_map<(d0, d1) -> (0)>
#map2 = affine_map<(d0, d1) -> (0, 0, 0)>
module attributes {stable_mosaic.version = 14 : i64} {
  func.func @_agg_body(%arg0: i32, %arg1: i32, %arg2: memref<10240x128xf32, #tpu.memory_space<hbm>>, %arg3: memref<10240x128xf32, #tpu.memory_space<hbm>>, %arg4: memref<321536xi32, #tpu.memory_space<hbm>>, %arg5: memref<321536xi32, #tpu.memory_space<hbm>>, %arg6: memref<2x10240x128xf32, #tpu.memory_space<hbm>>, %arg7: memref<10240x128xf32, #tpu.memory_space<vmem_shared>>, %arg8: memref<128x128xf32, #tpu.memory_space<vmem>>, %arg9: memref<128xi32, #tpu.memory_space<vmem>>, %arg10: memref<128xi32, #tpu.memory_space<vmem>>, %arg11: memref<128x128xf32, #tpu.memory_space<vmem>>, %arg12: memref<!tpu.dma_semaphore, #tpu.memory_space<semaphore_mem>>) attributes {dimension_semantics = [#tpu.dimension_semantics<core_parallel>, #tpu.dimension_semantics<subcore_parallel>], iteration_bounds = array<i64: 2, 16>, scalar_prefetch = 0 : i64, scratch_operands = 6 : i64, tpu.core_type = #tpu.core_type<sc_vector_subcore>, window_params = [{transform_indices = #map}, {transform_indices = #map}, {transform_indices = #map1}, {transform_indices = #map1}, {transform_indices = #map2}]} {
    %broadcast_in_dim3A = arith.constant 0.000000e+00 : f32
    %broadcast_in_dim3A_0 = vector.broadcast %broadcast_in_dim3A : f32 to vector<16xf32>
    %scan3A = arith.constant 0 : i32
    %scan3A_1 = arith.constant 0 : i32
    %scan3A_2 = arith.constant 128 : i32
    %scan3A_3 = arith.addi %scan3A_1, %scan3A_2 : i32
    %scan3A_4 = arith.constant 1 : i32
    %scan3A_5 = scf.for %scan3A_29 = %scan3A_1 to %scan3A_3 step %scan3A_4 iter_args(%scan3A_30 = %scan3A) -> (i32)  : i32 {
      %swap3A = arith.index_cast %scan3A_29 : i32 to index
      %swap3A_31 = arith.constant 0 : index
      %swap3A_32 = tpu.vector_load %arg8[%swap3A, %swap3A_31] {strides = array<i32>} : memref<128x128xf32, #tpu.memory_space<vmem>>, vector<1x16xf32>,
      %swap3A_33 = vector.shape_cast %swap3A_32 : vector<1x16xf32> to vector<16xf32>
      %swap3A_34 = vector.shape_cast %broadcast_in_dim3A_0 : vector<16xf32> to vector<1x16xf32>
      tpu.vector_store %arg8[%swap3A, %swap3A_31], %swap3A_34 {strides = array<i32>} : memref<128x128xf32, #tpu.memory_space<vmem>>, vector<1x16xf32>,
      %swap3A_35 = arith.index_cast %scan3A_29 : i32 to index
      %swap3A_36 = arith.constant 16 : index
      %swap3A_37 = tpu.vector_load %arg8[%swap3A_35, %swap3A_36] {strides = array<i32>} : memref<128x128xf32, #tpu.memory_space<vmem>>, vector<1x16xf32>,
      %swap3A_38 = vector.shape_cast %swap3A_37 : vector<1x16xf32> to vector<16xf32>
      %swap3A_39 = vector.shape_cast %broadcast_in_dim3A_0 : vector<16xf32> to vector<1x16xf32>
      tpu.vector_store %arg8[%swap3A_35, %swap3A_36], %swap3A_39 {strides = array<i32>} : memref<128x128xf32, #tpu.memory_space<vmem>>, vector<1x16xf32>,
      %swap3A_40 = arith.index_cast %scan3A_29 : i32 to index
      %swap3A_41 = arith.constant 32 : index
      %swap3A_42 = tpu.vector_load %arg8[%swap3A_40, %swap3A_41] {strides = array<i32>} : memref<128x128xf32, #tpu.memory_space<vmem>>, vector<1x16xf32>,
      %swap3A_43 = vector.shape_cast %swap3A_42 : vector<1x16xf32> to vector<16xf32>
      %swap3A_44 = vector.shape_cast %broadcast_in_dim3A_0 : vector<16xf32> to vector<1x16xf32>
      tpu.vector_store %arg8[%swap3A_40, %swap3A_41], %swap3A_44 {strides = array<i32>} : memref<128x128xf32, #tpu.memory_space<vmem>>, vector<1x16xf32>,
      %swap3A_45 = arith.index_cast %scan3A_29 : i32 to index
      %swap3A_46 = arith.constant 48 : index
      %swap3A_47 = tpu.vector_load %arg8[%swap3A_45, %swap3A_46] {strides = array<i32>} : memref<128x128xf32, #tpu.memory_space<vmem>>, vector<1x16xf32>,
      %swap3A_48 = vector.shape_cast %swap3A_47 : vector<1x16xf32> to vector<16xf32>
      %swap3A_49 = vector.shape_cast %broadcast_in_dim3A_0 : vector<16xf32> to vector<1x16xf32>
      tpu.vector_store %arg8[%swap3A_45, %swap3A_46], %swap3A_49 {strides = array<i32>} : memref<128x128xf32, #tpu.memory_space<vmem>>, vector<1x16xf32>,
      %swap3A_50 = arith.index_cast %scan3A_29 : i32 to index
      %swap3A_51 = arith.constant 64 : index
      %swap3A_52 = tpu.vector_load %arg8[%swap3A_50, %swap3A_51] {strides = array<i32>} : memref<128x128xf32, #tpu.memory_space<vmem>>, vector<1x16xf32>,
      %swap3A_53 = vector.shape_cast %swap3A_52 : vector<1x16xf32> to vector<16xf32>
      %swap3A_54 = vector.shape_cast %broadcast_in_dim3A_0 : vector<16xf32> to vector<1x16xf32>
      tpu.vector_store %arg8[%swap3A_50, %swap3A_51], %swap3A_54 {strides = array<i32>} : memref<128x128xf32, #tpu.memory_space<vmem>>, vector<1x16xf32>,
      %swap3A_55 = arith.index_cast %scan3A_29 : i32 to index
      %swap3A_56 = arith.constant 80 : index
      %swap3A_57 = tpu.vector_load %arg8[%swap3A_55, %swap3A_56] {strides = array<i32>} : memref<128x128xf32, #tpu.memory_space<vmem>>, vector<1x16xf32>,
      %swap3A_58 = vector.shape_cast %swap3A_57 : vector<1x16xf32> to vector<16xf32>
      %swap3A_59 = vector.shape_cast %broadcast_in_dim3A_0 : vector<16xf32> to vector<1x16xf32>
      tpu.vector_store %arg8[%swap3A_55, %swap3A_56], %swap3A_59 {strides = array<i32>} : memref<128x128xf32, #tpu.memory_space<vmem>>, vector<1x16xf32>,
      %swap3A_60 = arith.index_cast %scan3A_29 : i32 to index
      %swap3A_61 = arith.constant 96 : index
      %swap3A_62 = tpu.vector_load %arg8[%swap3A_60, %swap3A_61] {strides = array<i32>} : memref<128x128xf32, #tpu.memory_space<vmem>>, vector<1x16xf32>,
      %swap3A_63 = vector.shape_cast %swap3A_62 : vector<1x16xf32> to vector<16xf32>
      %swap3A_64 = vector.shape_cast %broadcast_in_dim3A_0 : vector<16xf32> to vector<1x16xf32>
      tpu.vector_store %arg8[%swap3A_60, %swap3A_61], %swap3A_64 {strides = array<i32>} : memref<128x128xf32, #tpu.memory_space<vmem>>, vector<1x16xf32>,
      %swap3A_65 = arith.index_cast %scan3A_29 : i32 to index
      %swap3A_66 = arith.constant 112 : index
      %swap3A_67 = tpu.vector_load %arg8[%swap3A_65, %swap3A_66] {strides = array<i32>} : memref<128x128xf32, #tpu.memory_space<vmem>>, vector<1x16xf32>,
      %swap3A_68 = vector.shape_cast %swap3A_67 : vector<1x16xf32> to vector<16xf32>
      %swap3A_69 = vector.shape_cast %broadcast_in_dim3A_0 : vector<16xf32> to vector<1x16xf32>
      tpu.vector_store %arg8[%swap3A_65, %swap3A_66], %swap3A_69 {strides = array<i32>} : memref<128x128xf32, #tpu.memory_space<vmem>>, vector<1x16xf32>,
      %scan3A_70 = arith.constant 0 : i32
      scf.yield %scan3A_70 : i32
    }
    %scan3A_6 = arith.constant 128 : i32
    %scan3A_7 = arith.constant 0 : i32
    %scan3A_8 = arith.constant 0 : i32
    %scan3A_9 = arith.constant 5 : i32
    %scan3A_10 = arith.addi %scan3A_8, %scan3A_9 : i32
    %scan3A_11 = arith.constant 1 : i32
    %scan3A_12 = scf.for %scan3A_29 = %scan3A_8 to %scan3A_10 step %scan3A_11 iter_args(%scan3A_30 = %scan3A_7) -> (i32)  : i32 {
      %mul3A = arith.constant 640 : i32
      %mul3A_31 = arith.muli %arg1, %mul3A : i32
      %mul3A_32 = arith.constant 128 : i32
      %mul3A_33 = arith.muli %scan3A_29, %mul3A_32 : i32
      %add3A = arith.addi %mul3A_31, %mul3A_33 : i32
      "tpu.region"() ({
        %run_scoped3A = tpu.sem_alloc : memref<!tpu.dma_semaphore, #tpu.memory_space<semaphore_mem>>
        %dma_start3A = arith.constant 0 : i32
        %dma_start3A_35 = tpu.memref_slice %arg7[%add3A, %dma_start3A] : memref<10240x128xf32, #tpu.memory_space<vmem_shared>> -> memref<128x128xf32, #tpu.memory_space<vmem_shared>>
        %dma_start3A_36 = arith.constant 0 : i32
        %dma_start3A_37 = tpu.memref_slice %arg7[%add3A, %dma_start3A_36] : memref<10240x128xf32, #tpu.memory_space<vmem_shared>> -> memref<128x128xf32, #tpu.memory_space<vmem_shared>>
        tpu.enqueue_dma source(%arg8 : memref<128x128xf32, #tpu.memory_space<vmem>>) target(%dma_start3A_37 : memref<128x128xf32, #tpu.memory_space<vmem_shared>>) target_semaphore(%run_scoped3A : memref<!tpu.dma_semaphore, #tpu.memory_space<semaphore_mem>>)
        %dma_wait3A = arith.constant 0 : i32
        %dma_wait3A_38 = tpu.memref_slice %arg7[%add3A, %dma_wait3A] : memref<10240x128xf32, #tpu.memory_space<vmem_shared>> -> memref<128x128xf32, #tpu.memory_space<vmem_shared>>
        %dma_wait3A_39 = arith.constant 0 : i32
        %dma_wait3A_40 = tpu.memref_slice %arg7[%add3A, %dma_wait3A_39] : memref<10240x128xf32, #tpu.memory_space<vmem_shared>> -> memref<128x128xf32, #tpu.memory_space<vmem_shared>>
        tpu.wait_dma2 semaphore(%run_scoped3A : memref<!tpu.dma_semaphore, #tpu.memory_space<semaphore_mem>>) src(%arg8 : memref<128x128xf32, #tpu.memory_space<vmem>>) dst(%dma_wait3A_40 : memref<128x128xf32, #tpu.memory_space<vmem_shared>>)
        tpu.yield
      }) : () -> ()
      %scan3A_34 = arith.constant 0 : i32
      scf.yield %scan3A_34 : i32
    }
    %scan3A_13 = arith.constant 5 : i32
    %barrier3A = arith.constant 0 : index
    tpu.barrier barrier_id(%barrier3A)
    %scan3A_14 = arith.constant 0 : i32
    %scan3A_15 = arith.constant 0 : i32
    %scan3A_16 = arith.constant 157 : i32
    %scan3A_17 = arith.addi %scan3A_15, %scan3A_16 : i32
    %scan3A_18 = arith.constant 1 : i32
    %scan3A_19 = scf.for %scan3A_29 = %scan3A_15 to %scan3A_17 step %scan3A_18 iter_args(%scan3A_30 = %scan3A_14) -> (i32)  : i32 {
      %mul3A = arith.constant 20096 : i32
      %mul3A_31 = arith.muli %arg1, %mul3A : i32
      %mul3A_32 = arith.constant 128 : i32
      %mul3A_33 = arith.muli %scan3A_29, %mul3A_32 : i32
      %add3A = arith.addi %mul3A_31, %mul3A_33 : i32
      "tpu.region"() ({
        %run_scoped3A = tpu.sem_alloc : memref<!tpu.dma_semaphore, #tpu.memory_space<semaphore_mem>>
        %dma_start3A = tpu.memref_slice %arg4[%add3A] : memref<321536xi32, #tpu.memory_space<hbm>> -> memref<128xi32, #tpu.memory_space<hbm>>
        %dma_start3A_42 = tpu.memref_slice %arg4[%add3A] : memref<321536xi32, #tpu.memory_space<hbm>> -> memref<128xi32, #tpu.memory_space<hbm>>
        tpu.enqueue_dma source(%dma_start3A_42 : memref<128xi32, #tpu.memory_space<hbm>>) target(%arg9 : memref<128xi32, #tpu.memory_space<vmem>>) target_semaphore(%run_scoped3A : memref<!tpu.dma_semaphore, #tpu.memory_space<semaphore_mem>>)
        %dma_wait3A = tpu.memref_slice %arg4[%add3A] : memref<321536xi32, #tpu.memory_space<hbm>> -> memref<128xi32, #tpu.memory_space<hbm>>
        %dma_wait3A_43 = tpu.memref_slice %arg4[%add3A] : memref<321536xi32, #tpu.memory_space<hbm>> -> memref<128xi32, #tpu.memory_space<hbm>>
        tpu.wait_dma2 semaphore(%run_scoped3A : memref<!tpu.dma_semaphore, #tpu.memory_space<semaphore_mem>>) src(%dma_wait3A_43 : memref<128xi32, #tpu.memory_space<hbm>>) dst(%arg9 : memref<128xi32, #tpu.memory_space<vmem>>)
        tpu.yield
      }) : () -> ()
      "tpu.region"() ({
        %run_scoped3A = tpu.sem_alloc : memref<!tpu.dma_semaphore, #tpu.memory_space<semaphore_mem>>
        %dma_start3A = tpu.memref_slice %arg5[%add3A] : memref<321536xi32, #tpu.memory_space<hbm>> -> memref<128xi32, #tpu.memory_space<hbm>>
        %dma_start3A_42 = tpu.memref_slice %arg5[%add3A] : memref<321536xi32, #tpu.memory_space<hbm>> -> memref<128xi32, #tpu.memory_space<hbm>>
        tpu.enqueue_dma source(%dma_start3A_42 : memref<128xi32, #tpu.memory_space<hbm>>) target(%arg10 : memref<128xi32, #tpu.memory_space<vmem>>) target_semaphore(%run_scoped3A : memref<!tpu.dma_semaphore, #tpu.memory_space<semaphore_mem>>)
        %dma_wait3A = tpu.memref_slice %arg5[%add3A] : memref<321536xi32, #tpu.memory_space<hbm>> -> memref<128xi32, #tpu.memory_space<hbm>>
        %dma_wait3A_43 = tpu.memref_slice %arg5[%add3A] : memref<321536xi32, #tpu.memory_space<hbm>> -> memref<128xi32, #tpu.memory_space<hbm>>
        tpu.wait_dma2 semaphore(%run_scoped3A : memref<!tpu.dma_semaphore, #tpu.memory_space<semaphore_mem>>) src(%dma_wait3A_43 : memref<128xi32, #tpu.memory_space<hbm>>) dst(%arg10 : memref<128xi32, #tpu.memory_space<vmem>>)
        tpu.yield
      }) : () -> ()
      %eq3A = arith.constant 0 : i32
      %eq3A_34 = arith.cmpi eq, %arg0, %eq3A : i32
      %convert_element_type3A = arith.extui %eq3A_34 : i1 to i32
      %cond3A = arith.constant 0 : i32
      %cond3A_35 = arith.cmpi ne, %convert_element_type3A, %cond3A : i32
      scf.if %cond3A_35 {
        %dma_start3A = arith.constant 0 : i32
        %dma_start3A_42 = arith.constant 0 : i32
        %dma_start3A_43 = tpu.memref_slice %arg2[%dma_start3A, %dma_start3A_42] : memref<10240x128xf32, #tpu.memory_space<hbm>> -> memref<10240x128xf32, #tpu.memory_space<hbm>>
        tpu.enqueue_indirect_dma source(%dma_start3A_43 : memref<10240x128xf32, #tpu.memory_space<hbm>>) target(%arg11 : memref<128x128xf32, #tpu.memory_space<vmem>>) offsets(%arg9 : memref<128xi32, #tpu.memory_space<vmem>>) semaphore(%arg12 : memref<!tpu.dma_semaphore, #tpu.memory_space<semaphore_mem>>)
        %dma_wait3A = arith.constant 0 : i32
        %dma_wait3A_44 = arith.constant 0 : i32
        %dma_wait3A_45 = tpu.memref_slice %arg2[%dma_wait3A, %dma_wait3A_44] : memref<10240x128xf32, #tpu.memory_space<hbm>> -> memref<10240x128xf32, #tpu.memory_space<hbm>>
        tpu.wait_indirect_dma semaphore(%arg12 : memref<!tpu.dma_semaphore, #tpu.memory_space<semaphore_mem>>) src(%dma_wait3A_45 : memref<10240x128xf32, #tpu.memory_space<hbm>>) dst(%arg11 : memref<128x128xf32, #tpu.memory_space<vmem>>)
      } else {
      }
      %eq3A_36 = arith.constant 1 : i32
      %eq3A_37 = arith.cmpi eq, %arg0, %eq3A_36 : i32
      %convert_element_type3A_38 = arith.extui %eq3A_37 : i1 to i32
      %cond3A_39 = arith.constant 0 : i32
      %cond3A_40 = arith.cmpi ne, %convert_element_type3A_38, %cond3A_39 : i32
      scf.if %cond3A_40 {
        %dma_start3A = arith.constant 0 : i32
        %dma_start3A_42 = arith.constant 0 : i32
        %dma_start3A_43 = tpu.memref_slice %arg3[%dma_start3A, %dma_start3A_42] : memref<10240x128xf32, #tpu.memory_space<hbm>> -> memref<10240x128xf32, #tpu.memory_space<hbm>>
        tpu.enqueue_indirect_dma source(%dma_start3A_43 : memref<10240x128xf32, #tpu.memory_space<hbm>>) target(%arg11 : memref<128x128xf32, #tpu.memory_space<vmem>>) offsets(%arg9 : memref<128xi32, #tpu.memory_space<vmem>>) semaphore(%arg12 : memref<!tpu.dma_semaphore, #tpu.memory_space<semaphore_mem>>)
        %dma_wait3A = arith.constant 0 : i32
        %dma_wait3A_44 = arith.constant 0 : i32
        %dma_wait3A_45 = tpu.memref_slice %arg3[%dma_wait3A, %dma_wait3A_44] : memref<10240x128xf32, #tpu.memory_space<hbm>> -> memref<10240x128xf32, #tpu.memory_space<hbm>>
        tpu.wait_indirect_dma semaphore(%arg12 : memref<!tpu.dma_semaphore, #tpu.memory_space<semaphore_mem>>) src(%dma_wait3A_45 : memref<10240x128xf32, #tpu.memory_space<hbm>>) dst(%arg11 : memref<128x128xf32, #tpu.memory_space<vmem>>)
      } else {
      }
      "tpu.region"() ({
        %run_scoped3A = tpu.sem_alloc : memref<!tpu.dma_semaphore, #tpu.memory_space<semaphore_mem>>
        %dma_start3A = arith.constant 0 : i32
        %dma_start3A_42 = arith.constant 0 : i32
        %dma_start3A_43 = tpu.memref_slice %arg7[%dma_start3A, %dma_start3A_42] : memref<10240x128xf32, #tpu.memory_space<vmem_shared>> -> memref<10240x128xf32, #tpu.memory_space<vmem_shared>>
        tpu.enqueue_indirect_dma source(%arg11 : memref<128x128xf32, #tpu.memory_space<vmem>>) target(%dma_start3A_43 : memref<10240x128xf32, #tpu.memory_space<vmem_shared>>) offsets(%arg10 : memref<128xi32, #tpu.memory_space<vmem>>) semaphore(%run_scoped3A : memref<!tpu.dma_semaphore, #tpu.memory_space<semaphore_mem>>) {add = true}
        %dma_wait3A = arith.constant 0 : i32
        %dma_wait3A_44 = arith.constant 0 : i32
        %dma_wait3A_45 = tpu.memref_slice %arg7[%dma_wait3A, %dma_wait3A_44] : memref<10240x128xf32, #tpu.memory_space<vmem_shared>> -> memref<10240x128xf32, #tpu.memory_space<vmem_shared>>
        tpu.wait_indirect_dma semaphore(%run_scoped3A : memref<!tpu.dma_semaphore, #tpu.memory_space<semaphore_mem>>) src(%arg11 : memref<128x128xf32, #tpu.memory_space<vmem>>) dst(%dma_wait3A_45 : memref<10240x128xf32, #tpu.memory_space<vmem_shared>>)
        tpu.yield
      }) : () -> ()
      %scan3A_41 = arith.constant 0 : i32
      scf.yield %scan3A_41 : i32
    }
    %scan3A_20 = arith.constant 157 : i32
    %barrier3A_21 = arith.constant 0 : index
    tpu.barrier barrier_id(%barrier3A_21)
    %scan3A_22 = arith.constant 0 : i32
    %scan3A_23 = arith.constant 0 : i32
    %scan3A_24 = arith.constant 5 : i32
    %scan3A_25 = arith.addi %scan3A_23, %scan3A_24 : i32
    %scan3A_26 = arith.constant 1 : i32
    %scan3A_27 = scf.for %scan3A_29 = %scan3A_23 to %scan3A_25 step %scan3A_26 iter_args(%scan3A_30 = %scan3A_22) -> (i32)  : i32 {
      %mul3A = arith.constant 640 : i32
      %mul3A_31 = arith.muli %arg1, %mul3A : i32
      %mul3A_32 = arith.constant 128 : i32
      %mul3A_33 = arith.muli %scan3A_29, %mul3A_32 : i32
      %add3A = arith.addi %mul3A_31, %mul3A_33 : i32
      "tpu.region"() ({
        %run_scoped3A = tpu.sem_alloc : memref<!tpu.dma_semaphore, #tpu.memory_space<semaphore_mem>>
        %dma_start3A = arith.constant 0 : i32
        %dma_start3A_35 = tpu.memref_slice %arg6[%arg0, %add3A, %dma_start3A] : memref<2x10240x128xf32, #tpu.memory_space<hbm>> -> memref<1x128x128xf32, #tpu.memory_space<hbm>>
        %dma_start3A_36 = tpu.memref_squeeze %dma_start3A_35 : memref<1x128x128xf32, #tpu.memory_space<hbm>> -> memref<128x128xf32, #tpu.memory_space<hbm>>
        %dma_start3A_37 = arith.constant 0 : i32
        %dma_start3A_38 = tpu.memref_slice %arg7[%add3A, %dma_start3A_37] : memref<10240x128xf32, #tpu.memory_space<vmem_shared>> -> memref<128x128xf32, #tpu.memory_space<vmem_shared>>
        tpu.enqueue_dma source(%dma_start3A_38 : memref<128x128xf32, #tpu.memory_space<vmem_shared>>) target(%dma_start3A_36 : memref<128x128xf32, #tpu.memory_space<hbm>>) target_semaphore(%run_scoped3A : memref<!tpu.dma_semaphore, #tpu.memory_space<semaphore_mem>>)
        %dma_wait3A = arith.constant 0 : i32
        %dma_wait3A_39 = tpu.memref_slice %arg6[%arg0, %add3A, %dma_wait3A] : memref<2x10240x128xf32, #tpu.memory_space<hbm>> -> memref<1x128x128xf32, #tpu.memory_space<hbm>>
        %dma_wait3A_40 = tpu.memref_squeeze %dma_wait3A_39 : memref<1x128x128xf32, #tpu.memory_space<hbm>> -> memref<128x128xf32, #tpu.memory_space<hbm>>
        %dma_wait3A_41 = arith.constant 0 : i32
        %dma_wait3A_42 = tpu.memref_slice %arg7[%add3A, %dma_wait3A_41] : memref<10240x128xf32, #tpu.memory_space<vmem_shared>> -> memref<128x128xf32, #tpu.memory_space<vmem_shared>>
        tpu.wait_dma2 semaphore(%run_scoped3A : memref<!tpu.dma_semaphore, #tpu.memory_space<semaphore_mem>>) src(%dma_wait3A_42 : memref<128x128xf32, #tpu.memory_space<vmem_shared>>) dst(%dma_wait3A_40 : memref<128x128xf32, #tpu.memory_space<hbm>>)
        tpu.yield
      }) : () -> ()
      %scan3A_34 = arith.constant 0 : i32
      scf.yield %scan3A_34 : i32
    }
    %scan3A_28 = arith.constant 5 : i32
    return
  }
}

#map = affine_map<(d0, d1) -> (0)>
#map1 = affine_map<(d0, d1) -> (0, 0, 0)>
module attributes {stable_mosaic.version = 14 : i64} {
  func.func @_deg_body(%arg0: i32, %arg1: i32, %arg2: memref<323584xi32, #tpu.memory_space<hbm>>, %arg3: memref<2x10240x128xf32, #tpu.memory_space<hbm>>, %arg4: memref<10240x128xf32, #tpu.memory_space<vmem_shared>>, %arg5: memref<128x128xf32, #tpu.memory_space<vmem>>, %arg6: memref<128x128xf32, #tpu.memory_space<vmem>>, %arg7: memref<128xi32, #tpu.memory_space<vmem>>) attributes {dimension_semantics = [#tpu.dimension_semantics<core_parallel>, #tpu.dimension_semantics<subcore_parallel>], iteration_bounds = array<i64: 2, 16>, scalar_prefetch = 0 : i64, scratch_operands = 4 : i64, tpu.core_type = #tpu.core_type<sc_vector_subcore>, window_params = [{transform_indices = #map}, {transform_indices = #map1}]} {
    %mul3A = arith.constant 16 : i32
    %mul3A_0 = arith.muli %arg0, %mul3A : i32
    %add3A = arith.addi %mul3A_0, %arg1 : i32
    %broadcast_in_dim3A = arith.constant 1.000000e+00 : f32
    %broadcast_in_dim3A_1 = vector.broadcast %broadcast_in_dim3A : f32 to vector<16xf32>
    %broadcast_in_dim3A_2 = arith.constant 0.000000e+00 : f32
    %broadcast_in_dim3A_3 = vector.broadcast %broadcast_in_dim3A_2 : f32 to vector<16xf32>
    %scan3A = arith.constant 0 : i32
    %scan3A_4 = arith.constant 0 : i32
    %scan3A_5 = arith.constant 128 : i32
    %scan3A_6 = arith.addi %scan3A_4, %scan3A_5 : i32
    %scan3A_7 = arith.constant 1 : i32
    %scan3A_8 = scf.for %scan3A_32 = %scan3A_4 to %scan3A_6 step %scan3A_7 iter_args(%scan3A_33 = %scan3A) -> (i32)  : i32 {
      %swap3A = arith.index_cast %scan3A_32 : i32 to index
      %swap3A_34 = arith.constant 0 : index
      %swap3A_35 = tpu.vector_load %arg5[%swap3A, %swap3A_34] {strides = array<i32>} : memref<128x128xf32, #tpu.memory_space<vmem>>, vector<1x16xf32>,
      %swap3A_36 = vector.shape_cast %swap3A_35 : vector<1x16xf32> to vector<16xf32>
      %swap3A_37 = vector.shape_cast %broadcast_in_dim3A_1 : vector<16xf32> to vector<1x16xf32>
      tpu.vector_store %arg5[%swap3A, %swap3A_34], %swap3A_37 {strides = array<i32>} : memref<128x128xf32, #tpu.memory_space<vmem>>, vector<1x16xf32>,
      %swap3A_38 = arith.index_cast %scan3A_32 : i32 to index
      %swap3A_39 = arith.constant 0 : index
      %swap3A_40 = tpu.vector_load %arg6[%swap3A_38, %swap3A_39] {strides = array<i32>} : memref<128x128xf32, #tpu.memory_space<vmem>>, vector<1x16xf32>,
      %swap3A_41 = vector.shape_cast %swap3A_40 : vector<1x16xf32> to vector<16xf32>
      %swap3A_42 = vector.shape_cast %broadcast_in_dim3A_3 : vector<16xf32> to vector<1x16xf32>
      tpu.vector_store %arg6[%swap3A_38, %swap3A_39], %swap3A_42 {strides = array<i32>} : memref<128x128xf32, #tpu.memory_space<vmem>>, vector<1x16xf32>,
      %swap3A_43 = arith.index_cast %scan3A_32 : i32 to index
      %swap3A_44 = arith.constant 16 : index
      %swap3A_45 = tpu.vector_load %arg5[%swap3A_43, %swap3A_44] {strides = array<i32>} : memref<128x128xf32, #tpu.memory_space<vmem>>, vector<1x16xf32>,
      %swap3A_46 = vector.shape_cast %swap3A_45 : vector<1x16xf32> to vector<16xf32>
      %swap3A_47 = vector.shape_cast %broadcast_in_dim3A_1 : vector<16xf32> to vector<1x16xf32>
      tpu.vector_store %arg5[%swap3A_43, %swap3A_44], %swap3A_47 {strides = array<i32>} : memref<128x128xf32, #tpu.memory_space<vmem>>, vector<1x16xf32>,
      %swap3A_48 = arith.index_cast %scan3A_32 : i32 to index
      %swap3A_49 = arith.constant 16 : index
      %swap3A_50 = tpu.vector_load %arg6[%swap3A_48, %swap3A_49] {strides = array<i32>} : memref<128x128xf32, #tpu.memory_space<vmem>>, vector<1x16xf32>,
      %swap3A_51 = vector.shape_cast %swap3A_50 : vector<1x16xf32> to vector<16xf32>
      %swap3A_52 = vector.shape_cast %broadcast_in_dim3A_3 : vector<16xf32> to vector<1x16xf32>
      tpu.vector_store %arg6[%swap3A_48, %swap3A_49], %swap3A_52 {strides = array<i32>} : memref<128x128xf32, #tpu.memory_space<vmem>>, vector<1x16xf32>,
      %swap3A_53 = arith.index_cast %scan3A_32 : i32 to index
      %swap3A_54 = arith.constant 32 : index
      %swap3A_55 = tpu.vector_load %arg5[%swap3A_53, %swap3A_54] {strides = array<i32>} : memref<128x128xf32, #tpu.memory_space<vmem>>, vector<1x16xf32>,
      %swap3A_56 = vector.shape_cast %swap3A_55 : vector<1x16xf32> to vector<16xf32>
      %swap3A_57 = vector.shape_cast %broadcast_in_dim3A_1 : vector<16xf32> to vector<1x16xf32>
      tpu.vector_store %arg5[%swap3A_53, %swap3A_54], %swap3A_57 {strides = array<i32>} : memref<128x128xf32, #tpu.memory_space<vmem>>, vector<1x16xf32>,
      %swap3A_58 = arith.index_cast %scan3A_32 : i32 to index
      %swap3A_59 = arith.constant 32 : index
      %swap3A_60 = tpu.vector_load %arg6[%swap3A_58, %swap3A_59] {strides = array<i32>} : memref<128x128xf32, #tpu.memory_space<vmem>>, vector<1x16xf32>,
      %swap3A_61 = vector.shape_cast %swap3A_60 : vector<1x16xf32> to vector<16xf32>
      %swap3A_62 = vector.shape_cast %broadcast_in_dim3A_3 : vector<16xf32> to vector<1x16xf32>
      tpu.vector_store %arg6[%swap3A_58, %swap3A_59], %swap3A_62 {strides = array<i32>} : memref<128x128xf32, #tpu.memory_space<vmem>>, vector<1x16xf32>,
      %swap3A_63 = arith.index_cast %scan3A_32 : i32 to index
      %swap3A_64 = arith.constant 48 : index
      %swap3A_65 = tpu.vector_load %arg5[%swap3A_63, %swap3A_64] {strides = array<i32>} : memref<128x128xf32, #tpu.memory_space<vmem>>, vector<1x16xf32>,
      %swap3A_66 = vector.shape_cast %swap3A_65 : vector<1x16xf32> to vector<16xf32>
      %swap3A_67 = vector.shape_cast %broadcast_in_dim3A_1 : vector<16xf32> to vector<1x16xf32>
      tpu.vector_store %arg5[%swap3A_63, %swap3A_64], %swap3A_67 {strides = array<i32>} : memref<128x128xf32, #tpu.memory_space<vmem>>, vector<1x16xf32>,
      %swap3A_68 = arith.index_cast %scan3A_32 : i32 to index
      %swap3A_69 = arith.constant 48 : index
      %swap3A_70 = tpu.vector_load %arg6[%swap3A_68, %swap3A_69] {strides = array<i32>} : memref<128x128xf32, #tpu.memory_space<vmem>>, vector<1x16xf32>,
      %swap3A_71 = vector.shape_cast %swap3A_70 : vector<1x16xf32> to vector<16xf32>
      %swap3A_72 = vector.shape_cast %broadcast_in_dim3A_3 : vector<16xf32> to vector<1x16xf32>
      tpu.vector_store %arg6[%swap3A_68, %swap3A_69], %swap3A_72 {strides = array<i32>} : memref<128x128xf32, #tpu.memory_space<vmem>>, vector<1x16xf32>,
      %swap3A_73 = arith.index_cast %scan3A_32 : i32 to index
      %swap3A_74 = arith.constant 64 : index
      %swap3A_75 = tpu.vector_load %arg5[%swap3A_73, %swap3A_74] {strides = array<i32>} : memref<128x128xf32, #tpu.memory_space<vmem>>, vector<1x16xf32>,
      %swap3A_76 = vector.shape_cast %swap3A_75 : vector<1x16xf32> to vector<16xf32>
      %swap3A_77 = vector.shape_cast %broadcast_in_dim3A_1 : vector<16xf32> to vector<1x16xf32>
      tpu.vector_store %arg5[%swap3A_73, %swap3A_74], %swap3A_77 {strides = array<i32>} : memref<128x128xf32, #tpu.memory_space<vmem>>, vector<1x16xf32>,
      %swap3A_78 = arith.index_cast %scan3A_32 : i32 to index
      %swap3A_79 = arith.constant 64 : index
      %swap3A_80 = tpu.vector_load %arg6[%swap3A_78, %swap3A_79] {strides = array<i32>} : memref<128x128xf32, #tpu.memory_space<vmem>>, vector<1x16xf32>,
      %swap3A_81 = vector.shape_cast %swap3A_80 : vector<1x16xf32> to vector<16xf32>
      %swap3A_82 = vector.shape_cast %broadcast_in_dim3A_3 : vector<16xf32> to vector<1x16xf32>
      tpu.vector_store %arg6[%swap3A_78, %swap3A_79], %swap3A_82 {strides = array<i32>} : memref<128x128xf32, #tpu.memory_space<vmem>>, vector<1x16xf32>,
      %swap3A_83 = arith.index_cast %scan3A_32 : i32 to index
      %swap3A_84 = arith.constant 80 : index
      %swap3A_85 = tpu.vector_load %arg5[%swap3A_83, %swap3A_84] {strides = array<i32>} : memref<128x128xf32, #tpu.memory_space<vmem>>, vector<1x16xf32>,
      %swap3A_86 = vector.shape_cast %swap3A_85 : vector<1x16xf32> to vector<16xf32>
      %swap3A_87 = vector.shape_cast %broadcast_in_dim3A_1 : vector<16xf32> to vector<1x16xf32>
      tpu.vector_store %arg5[%swap3A_83, %swap3A_84], %swap3A_87 {strides = array<i32>} : memref<128x128xf32, #tpu.memory_space<vmem>>, vector<1x16xf32>,
      %swap3A_88 = arith.index_cast %scan3A_32 : i32 to index
      %swap3A_89 = arith.constant 80 : index
      %swap3A_90 = tpu.vector_load %arg6[%swap3A_88, %swap3A_89] {strides = array<i32>} : memref<128x128xf32, #tpu.memory_space<vmem>>, vector<1x16xf32>,
      %swap3A_91 = vector.shape_cast %swap3A_90 : vector<1x16xf32> to vector<16xf32>
      %swap3A_92 = vector.shape_cast %broadcast_in_dim3A_3 : vector<16xf32> to vector<1x16xf32>
      tpu.vector_store %arg6[%swap3A_88, %swap3A_89], %swap3A_92 {strides = array<i32>} : memref<128x128xf32, #tpu.memory_space<vmem>>, vector<1x16xf32>,
      %swap3A_93 = arith.index_cast %scan3A_32 : i32 to index
      %swap3A_94 = arith.constant 96 : index
      %swap3A_95 = tpu.vector_load %arg5[%swap3A_93, %swap3A_94] {strides = array<i32>} : memref<128x128xf32, #tpu.memory_space<vmem>>, vector<1x16xf32>,
      %swap3A_96 = vector.shape_cast %swap3A_95 : vector<1x16xf32> to vector<16xf32>
      %swap3A_97 = vector.shape_cast %broadcast_in_dim3A_1 : vector<16xf32> to vector<1x16xf32>
      tpu.vector_store %arg5[%swap3A_93, %swap3A_94], %swap3A_97 {strides = array<i32>} : memref<128x128xf32, #tpu.memory_space<vmem>>, vector<1x16xf32>,
      %swap3A_98 = arith.index_cast %scan3A_32 : i32 to index
      %swap3A_99 = arith.constant 96 : index
      %swap3A_100 = tpu.vector_load %arg6[%swap3A_98, %swap3A_99] {strides = array<i32>} : memref<128x128xf32, #tpu.memory_space<vmem>>, vector<1x16xf32>,
      %swap3A_101 = vector.shape_cast %swap3A_100 : vector<1x16xf32> to vector<16xf32>
      %swap3A_102 = vector.shape_cast %broadcast_in_dim3A_3 : vector<16xf32> to vector<1x16xf32>
      tpu.vector_store %arg6[%swap3A_98, %swap3A_99], %swap3A_102 {strides = array<i32>} : memref<128x128xf32, #tpu.memory_space<vmem>>, vector<1x16xf32>,
      %swap3A_103 = arith.index_cast %scan3A_32 : i32 to index
      %swap3A_104 = arith.constant 112 : index
      %swap3A_105 = tpu.vector_load %arg5[%swap3A_103, %swap3A_104] {strides = array<i32>} : memref<128x128xf32, #tpu.memory_space<vmem>>, vector<1x16xf32>,
      %swap3A_106 = vector.shape_cast %swap3A_105 : vector<1x16xf32> to vector<16xf32>
      %swap3A_107 = vector.shape_cast %broadcast_in_dim3A_1 : vector<16xf32> to vector<1x16xf32>
      tpu.vector_store %arg5[%swap3A_103, %swap3A_104], %swap3A_107 {strides = array<i32>} : memref<128x128xf32, #tpu.memory_space<vmem>>, vector<1x16xf32>,
      %swap3A_108 = arith.index_cast %scan3A_32 : i32 to index
      %swap3A_109 = arith.constant 112 : index
      %swap3A_110 = tpu.vector_load %arg6[%swap3A_108, %swap3A_109] {strides = array<i32>} : memref<128x128xf32, #tpu.memory_space<vmem>>, vector<1x16xf32>,
      %swap3A_111 = vector.shape_cast %swap3A_110 : vector<1x16xf32> to vector<16xf32>
      %swap3A_112 = vector.shape_cast %broadcast_in_dim3A_3 : vector<16xf32> to vector<1x16xf32>
      tpu.vector_store %arg6[%swap3A_108, %swap3A_109], %swap3A_112 {strides = array<i32>} : memref<128x128xf32, #tpu.memory_space<vmem>>, vector<1x16xf32>,
      %scan3A_113 = arith.constant 0 : i32
      scf.yield %scan3A_113 : i32
    }
    %scan3A_9 = arith.constant 128 : i32
    %scan3A_10 = arith.constant 0 : i32
    %scan3A_11 = arith.constant 0 : i32
    %scan3A_12 = arith.constant 5 : i32
    %scan3A_13 = arith.addi %scan3A_11, %scan3A_12 : i32
    %scan3A_14 = arith.constant 1 : i32
    %scan3A_15 = scf.for %scan3A_32 = %scan3A_11 to %scan3A_13 step %scan3A_14 iter_args(%scan3A_33 = %scan3A_10) -> (i32)  : i32 {
      %mul3A_34 = arith.constant 640 : i32
      %mul3A_35 = arith.muli %arg1, %mul3A_34 : i32
      %mul3A_36 = arith.constant 128 : i32
      %mul3A_37 = arith.muli %scan3A_32, %mul3A_36 : i32
      %add3A_38 = arith.addi %mul3A_35, %mul3A_37 : i32
      "tpu.region"() ({
        %run_scoped3A = tpu.sem_alloc : memref<!tpu.dma_semaphore, #tpu.memory_space<semaphore_mem>>
        %dma_start3A = arith.constant 0 : i32
        %dma_start3A_40 = tpu.memref_slice %arg4[%add3A_38, %dma_start3A] : memref<10240x128xf32, #tpu.memory_space<vmem_shared>> -> memref<128x128xf32, #tpu.memory_space<vmem_shared>>
        %dma_start3A_41 = arith.constant 0 : i32
        %dma_start3A_42 = tpu.memref_slice %arg4[%add3A_38, %dma_start3A_41] : memref<10240x128xf32, #tpu.memory_space<vmem_shared>> -> memref<128x128xf32, #tpu.memory_space<vmem_shared>>
        tpu.enqueue_dma source(%arg6 : memref<128x128xf32, #tpu.memory_space<vmem>>) target(%dma_start3A_42 : memref<128x128xf32, #tpu.memory_space<vmem_shared>>) target_semaphore(%run_scoped3A : memref<!tpu.dma_semaphore, #tpu.memory_space<semaphore_mem>>)
        %dma_wait3A = arith.constant 0 : i32
        %dma_wait3A_43 = tpu.memref_slice %arg4[%add3A_38, %dma_wait3A] : memref<10240x128xf32, #tpu.memory_space<vmem_shared>> -> memref<128x128xf32, #tpu.memory_space<vmem_shared>>
        %dma_wait3A_44 = arith.constant 0 : i32
        %dma_wait3A_45 = tpu.memref_slice %arg4[%add3A_38, %dma_wait3A_44] : memref<10240x128xf32, #tpu.memory_space<vmem_shared>> -> memref<128x128xf32, #tpu.memory_space<vmem_shared>>
        tpu.wait_dma2 semaphore(%run_scoped3A : memref<!tpu.dma_semaphore, #tpu.memory_space<semaphore_mem>>) src(%arg6 : memref<128x128xf32, #tpu.memory_space<vmem>>) dst(%dma_wait3A_45 : memref<128x128xf32, #tpu.memory_space<vmem_shared>>)
        tpu.yield
      }) : () -> ()
      %scan3A_39 = arith.constant 0 : i32
      scf.yield %scan3A_39 : i32
    }
    %scan3A_16 = arith.constant 5 : i32
    %barrier3A = arith.constant 0 : index
    tpu.barrier barrier_id(%barrier3A)
    %scan3A_17 = arith.constant 0 : i32
    %scan3A_18 = arith.constant 0 : i32
    %scan3A_19 = arith.constant 79 : i32
    %scan3A_20 = arith.addi %scan3A_18, %scan3A_19 : i32
    %scan3A_21 = arith.constant 1 : i32
    %scan3A_22 = scf.for %scan3A_32 = %scan3A_18 to %scan3A_20 step %scan3A_21 iter_args(%scan3A_33 = %scan3A_17) -> (i32)  : i32 {
      %mul3A_34 = arith.constant 10112 : i32
      %mul3A_35 = arith.muli %add3A, %mul3A_34 : i32
      %mul3A_36 = arith.constant 128 : i32
      %mul3A_37 = arith.muli %scan3A_32, %mul3A_36 : i32
      %add3A_38 = arith.addi %mul3A_35, %mul3A_37 : i32
      "tpu.region"() ({
        %run_scoped3A = tpu.sem_alloc : memref<!tpu.dma_semaphore, #tpu.memory_space<semaphore_mem>>
        %dma_start3A = tpu.memref_slice %arg2[%add3A_38] : memref<323584xi32, #tpu.memory_space<hbm>> -> memref<128xi32, #tpu.memory_space<hbm>>
        %dma_start3A_40 = tpu.memref_slice %arg2[%add3A_38] : memref<323584xi32, #tpu.memory_space<hbm>> -> memref<128xi32, #tpu.memory_space<hbm>>
        tpu.enqueue_dma source(%dma_start3A_40 : memref<128xi32, #tpu.memory_space<hbm>>) target(%arg7 : memref<128xi32, #tpu.memory_space<vmem>>) target_semaphore(%run_scoped3A : memref<!tpu.dma_semaphore, #tpu.memory_space<semaphore_mem>>)
        %dma_wait3A = tpu.memref_slice %arg2[%add3A_38] : memref<323584xi32, #tpu.memory_space<hbm>> -> memref<128xi32, #tpu.memory_space<hbm>>
        %dma_wait3A_41 = tpu.memref_slice %arg2[%add3A_38] : memref<323584xi32, #tpu.memory_space<hbm>> -> memref<128xi32, #tpu.memory_space<hbm>>
        tpu.wait_dma2 semaphore(%run_scoped3A : memref<!tpu.dma_semaphore, #tpu.memory_space<semaphore_mem>>) src(%dma_wait3A_41 : memref<128xi32, #tpu.memory_space<hbm>>) dst(%arg7 : memref<128xi32, #tpu.memory_space<vmem>>)
        tpu.yield
      }) : () -> ()
      "tpu.region"() ({
        %run_scoped3A = tpu.sem_alloc : memref<!tpu.dma_semaphore, #tpu.memory_space<semaphore_mem>>
        %dma_start3A = arith.constant 0 : i32
        %dma_start3A_40 = arith.constant 0 : i32
        %dma_start3A_41 = tpu.memref_slice %arg4[%dma_start3A, %dma_start3A_40] : memref<10240x128xf32, #tpu.memory_space<vmem_shared>> -> memref<10240x128xf32, #tpu.memory_space<vmem_shared>>
        tpu.enqueue_indirect_dma source(%arg5 : memref<128x128xf32, #tpu.memory_space<vmem>>) target(%dma_start3A_41 : memref<10240x128xf32, #tpu.memory_space<vmem_shared>>) offsets(%arg7 : memref<128xi32, #tpu.memory_space<vmem>>) semaphore(%run_scoped3A : memref<!tpu.dma_semaphore, #tpu.memory_space<semaphore_mem>>) {add = true}
        %dma_wait3A = arith.constant 0 : i32
        %dma_wait3A_42 = arith.constant 0 : i32
        %dma_wait3A_43 = tpu.memref_slice %arg4[%dma_wait3A, %dma_wait3A_42] : memref<10240x128xf32, #tpu.memory_space<vmem_shared>> -> memref<10240x128xf32, #tpu.memory_space<vmem_shared>>
        tpu.wait_indirect_dma semaphore(%run_scoped3A : memref<!tpu.dma_semaphore, #tpu.memory_space<semaphore_mem>>) src(%arg5 : memref<128x128xf32, #tpu.memory_space<vmem>>) dst(%dma_wait3A_43 : memref<10240x128xf32, #tpu.memory_space<vmem_shared>>)
        tpu.yield
      }) : () -> ()
      %scan3A_39 = arith.constant 0 : i32
      scf.yield %scan3A_39 : i32
    }
    %scan3A_23 = arith.constant 79 : i32
    %barrier3A_24 = arith.constant 0 : index
    tpu.barrier barrier_id(%barrier3A_24)
    %scan3A_25 = arith.constant 0 : i32
    %scan3A_26 = arith.constant 0 : i32
    %scan3A_27 = arith.constant 5 : i32
    %scan3A_28 = arith.addi %scan3A_26, %scan3A_27 : i32
    %scan3A_29 = arith.constant 1 : i32
    %scan3A_30 = scf.for %scan3A_32 = %scan3A_26 to %scan3A_28 step %scan3A_29 iter_args(%scan3A_33 = %scan3A_25) -> (i32)  : i32 {
      %mul3A_34 = arith.constant 640 : i32
      %mul3A_35 = arith.muli %arg1, %mul3A_34 : i32
      %mul3A_36 = arith.constant 128 : i32
      %mul3A_37 = arith.muli %scan3A_32, %mul3A_36 : i32
      %add3A_38 = arith.addi %mul3A_35, %mul3A_37 : i32
      "tpu.region"() ({
        %run_scoped3A = tpu.sem_alloc : memref<!tpu.dma_semaphore, #tpu.memory_space<semaphore_mem>>
        %dma_start3A = arith.constant 0 : i32
        %dma_start3A_40 = tpu.memref_slice %arg3[%arg0, %add3A_38, %dma_start3A] : memref<2x10240x128xf32, #tpu.memory_space<hbm>> -> memref<1x128x128xf32, #tpu.memory_space<hbm>>
        %dma_start3A_41 = tpu.memref_squeeze %dma_start3A_40 : memref<1x128x128xf32, #tpu.memory_space<hbm>> -> memref<128x128xf32, #tpu.memory_space<hbm>>
        %dma_start3A_42 = arith.constant 0 : i32
        %dma_start3A_43 = tpu.memref_slice %arg4[%add3A_38, %dma_start3A_42] : memref<10240x128xf32, #tpu.memory_space<vmem_shared>> -> memref<128x128xf32, #tpu.memory_space<vmem_shared>>
        tpu.enqueue_dma source(%dma_start3A_43 : memref<128x128xf32, #tpu.memory_space<vmem_shared>>) target(%dma_start3A_41 : memref<128x128xf32, #tpu.memory_space<hbm>>) target_semaphore(%run_scoped3A : memref<!tpu.dma_semaphore, #tpu.memory_space<semaphore_mem>>)
        %dma_wait3A = arith.constant 0 : i32
        %dma_wait3A_44 = tpu.memref_slice %arg3[%arg0, %add3A_38, %dma_wait3A] : memref<2x10240x128xf32, #tpu.memory_space<hbm>> -> memref<1x128x128xf32, #tpu.memory_space<hbm>>
        %dma_wait3A_45 = tpu.memref_squeeze %dma_wait3A_44 : memref<1x128x128xf32, #tpu.memory_space<hbm>> -> memref<128x128xf32, #tpu.memory_space<hbm>>
        %dma_wait3A_46 = arith.constant 0 : i32
        %dma_wait3A_47 = tpu.memref_slice %arg4[%add3A_38, %dma_wait3A_46] : memref<10240x128xf32, #tpu.memory_space<vmem_shared>> -> memref<128x128xf32, #tpu.memory_space<vmem_shared>>
        tpu.wait_dma2 semaphore(%run_scoped3A : memref<!tpu.dma_semaphore, #tpu.memory_space<semaphore_mem>>) src(%dma_wait3A_47 : memref<128x128xf32, #tpu.memory_space<vmem_shared>>) dst(%dma_wait3A_45 : memref<128x128xf32, #tpu.memory_space<hbm>>)
        tpu.yield
      }) : () -> ()
      %scan3A_39 = arith.constant 0 : i32
      scf.yield %scan3A_39 : i32
    }
    %scan3A_31 = arith.constant 5 : i32
    return
  }
}

#map = affine_map<(d0, d1) -> (0, 0)>
#map1 = affine_map<(d0, d1) -> (0)>
#map2 = affine_map<(d0, d1) -> (0, 0, 0)>
module attributes {stable_mosaic.version = 14 : i64} {
  func.func @_agg_body(%arg0: i32, %arg1: i32, %arg2: memref<10240x128xf32, #tpu.memory_space<hbm>>, %arg3: memref<10240x128xf32, #tpu.memory_space<hbm>>, %arg4: memref<321536xi32, #tpu.memory_space<hbm>>, %arg5: memref<321536xi32, #tpu.memory_space<hbm>>, %arg6: memref<2x10240x128xf32, #tpu.memory_space<hbm>>, %arg7: memref<10240x128xf32, #tpu.memory_space<vmem_shared>>, %arg8: memref<128x128xf32, #tpu.memory_space<vmem>>, %arg9: memref<128xi32, #tpu.memory_space<vmem>>, %arg10: memref<128xi32, #tpu.memory_space<vmem>>, %arg11: memref<128x128xf32, #tpu.memory_space<vmem>>, %arg12: memref<!tpu.dma_semaphore, #tpu.memory_space<semaphore_mem>>) attributes {dimension_semantics = [#tpu.dimension_semantics<core_parallel>, #tpu.dimension_semantics<subcore_parallel>], iteration_bounds = array<i64: 2, 16>, scalar_prefetch = 0 : i64, scratch_operands = 6 : i64, tpu.core_type = #tpu.core_type<sc_vector_subcore>, window_params = [{transform_indices = #map}, {transform_indices = #map}, {transform_indices = #map1}, {transform_indices = #map1}, {transform_indices = #map2}]} {
    %broadcast_in_dim3A = arith.constant 0.000000e+00 : f32
    %broadcast_in_dim3A_0 = vector.broadcast %broadcast_in_dim3A : f32 to vector<16xf32>
    %scan3A = arith.constant 0 : i32
    %scan3A_1 = arith.constant 0 : i32
    %scan3A_2 = arith.constant 128 : i32
    %scan3A_3 = arith.addi %scan3A_1, %scan3A_2 : i32
    %scan3A_4 = arith.constant 1 : i32
    %scan3A_5 = scf.for %scan3A_29 = %scan3A_1 to %scan3A_3 step %scan3A_4 iter_args(%scan3A_30 = %scan3A) -> (i32)  : i32 {
      %swap3A = arith.index_cast %scan3A_29 : i32 to index
      %swap3A_31 = arith.constant 0 : index
      %swap3A_32 = tpu.vector_load %arg8[%swap3A, %swap3A_31] {strides = array<i32>} : memref<128x128xf32, #tpu.memory_space<vmem>>, vector<1x16xf32>,
      %swap3A_33 = vector.shape_cast %swap3A_32 : vector<1x16xf32> to vector<16xf32>
      %swap3A_34 = vector.shape_cast %broadcast_in_dim3A_0 : vector<16xf32> to vector<1x16xf32>
      tpu.vector_store %arg8[%swap3A, %swap3A_31], %swap3A_34 {strides = array<i32>} : memref<128x128xf32, #tpu.memory_space<vmem>>, vector<1x16xf32>,
      %swap3A_35 = arith.index_cast %scan3A_29 : i32 to index
      %swap3A_36 = arith.constant 16 : index
      %swap3A_37 = tpu.vector_load %arg8[%swap3A_35, %swap3A_36] {strides = array<i32>} : memref<128x128xf32, #tpu.memory_space<vmem>>, vector<1x16xf32>,
      %swap3A_38 = vector.shape_cast %swap3A_37 : vector<1x16xf32> to vector<16xf32>
      %swap3A_39 = vector.shape_cast %broadcast_in_dim3A_0 : vector<16xf32> to vector<1x16xf32>
      tpu.vector_store %arg8[%swap3A_35, %swap3A_36], %swap3A_39 {strides = array<i32>} : memref<128x128xf32, #tpu.memory_space<vmem>>, vector<1x16xf32>,
      %swap3A_40 = arith.index_cast %scan3A_29 : i32 to index
      %swap3A_41 = arith.constant 32 : index
      %swap3A_42 = tpu.vector_load %arg8[%swap3A_40, %swap3A_41] {strides = array<i32>} : memref<128x128xf32, #tpu.memory_space<vmem>>, vector<1x16xf32>,
      %swap3A_43 = vector.shape_cast %swap3A_42 : vector<1x16xf32> to vector<16xf32>
      %swap3A_44 = vector.shape_cast %broadcast_in_dim3A_0 : vector<16xf32> to vector<1x16xf32>
      tpu.vector_store %arg8[%swap3A_40, %swap3A_41], %swap3A_44 {strides = array<i32>} : memref<128x128xf32, #tpu.memory_space<vmem>>, vector<1x16xf32>,
      %swap3A_45 = arith.index_cast %scan3A_29 : i32 to index
      %swap3A_46 = arith.constant 48 : index
      %swap3A_47 = tpu.vector_load %arg8[%swap3A_45, %swap3A_46] {strides = array<i32>} : memref<128x128xf32, #tpu.memory_space<vmem>>, vector<1x16xf32>,
      %swap3A_48 = vector.shape_cast %swap3A_47 : vector<1x16xf32> to vector<16xf32>
      %swap3A_49 = vector.shape_cast %broadcast_in_dim3A_0 : vector<16xf32> to vector<1x16xf32>
      tpu.vector_store %arg8[%swap3A_45, %swap3A_46], %swap3A_49 {strides = array<i32>} : memref<128x128xf32, #tpu.memory_space<vmem>>, vector<1x16xf32>,
      %swap3A_50 = arith.index_cast %scan3A_29 : i32 to index
      %swap3A_51 = arith.constant 64 : index
      %swap3A_52 = tpu.vector_load %arg8[%swap3A_50, %swap3A_51] {strides = array<i32>} : memref<128x128xf32, #tpu.memory_space<vmem>>, vector<1x16xf32>,
      %swap3A_53 = vector.shape_cast %swap3A_52 : vector<1x16xf32> to vector<16xf32>
      %swap3A_54 = vector.shape_cast %broadcast_in_dim3A_0 : vector<16xf32> to vector<1x16xf32>
      tpu.vector_store %arg8[%swap3A_50, %swap3A_51], %swap3A_54 {strides = array<i32>} : memref<128x128xf32, #tpu.memory_space<vmem>>, vector<1x16xf32>,
      %swap3A_55 = arith.index_cast %scan3A_29 : i32 to index
      %swap3A_56 = arith.constant 80 : index
      %swap3A_57 = tpu.vector_load %arg8[%swap3A_55, %swap3A_56] {strides = array<i32>} : memref<128x128xf32, #tpu.memory_space<vmem>>, vector<1x16xf32>,
      %swap3A_58 = vector.shape_cast %swap3A_57 : vector<1x16xf32> to vector<16xf32>
      %swap3A_59 = vector.shape_cast %broadcast_in_dim3A_0 : vector<16xf32> to vector<1x16xf32>
      tpu.vector_store %arg8[%swap3A_55, %swap3A_56], %swap3A_59 {strides = array<i32>} : memref<128x128xf32, #tpu.memory_space<vmem>>, vector<1x16xf32>,
      %swap3A_60 = arith.index_cast %scan3A_29 : i32 to index
      %swap3A_61 = arith.constant 96 : index
      %swap3A_62 = tpu.vector_load %arg8[%swap3A_60, %swap3A_61] {strides = array<i32>} : memref<128x128xf32, #tpu.memory_space<vmem>>, vector<1x16xf32>,
      %swap3A_63 = vector.shape_cast %swap3A_62 : vector<1x16xf32> to vector<16xf32>
      %swap3A_64 = vector.shape_cast %broadcast_in_dim3A_0 : vector<16xf32> to vector<1x16xf32>
      tpu.vector_store %arg8[%swap3A_60, %swap3A_61], %swap3A_64 {strides = array<i32>} : memref<128x128xf32, #tpu.memory_space<vmem>>, vector<1x16xf32>,
      %swap3A_65 = arith.index_cast %scan3A_29 : i32 to index
      %swap3A_66 = arith.constant 112 : index
      %swap3A_67 = tpu.vector_load %arg8[%swap3A_65, %swap3A_66] {strides = array<i32>} : memref<128x128xf32, #tpu.memory_space<vmem>>, vector<1x16xf32>,
      %swap3A_68 = vector.shape_cast %swap3A_67 : vector<1x16xf32> to vector<16xf32>
      %swap3A_69 = vector.shape_cast %broadcast_in_dim3A_0 : vector<16xf32> to vector<1x16xf32>
      tpu.vector_store %arg8[%swap3A_65, %swap3A_66], %swap3A_69 {strides = array<i32>} : memref<128x128xf32, #tpu.memory_space<vmem>>, vector<1x16xf32>,
      %scan3A_70 = arith.constant 0 : i32
      scf.yield %scan3A_70 : i32
    }
    %scan3A_6 = arith.constant 128 : i32
    %scan3A_7 = arith.constant 0 : i32
    %scan3A_8 = arith.constant 0 : i32
    %scan3A_9 = arith.constant 5 : i32
    %scan3A_10 = arith.addi %scan3A_8, %scan3A_9 : i32
    %scan3A_11 = arith.constant 1 : i32
    %scan3A_12 = scf.for %scan3A_29 = %scan3A_8 to %scan3A_10 step %scan3A_11 iter_args(%scan3A_30 = %scan3A_7) -> (i32)  : i32 {
      %mul3A = arith.constant 640 : i32
      %mul3A_31 = arith.muli %arg1, %mul3A : i32
      %mul3A_32 = arith.constant 128 : i32
      %mul3A_33 = arith.muli %scan3A_29, %mul3A_32 : i32
      %add3A = arith.addi %mul3A_31, %mul3A_33 : i32
      "tpu.region"() ({
        %run_scoped3A = tpu.sem_alloc : memref<!tpu.dma_semaphore, #tpu.memory_space<semaphore_mem>>
        %dma_start3A = arith.constant 0 : i32
        %dma_start3A_35 = tpu.memref_slice %arg7[%add3A, %dma_start3A] : memref<10240x128xf32, #tpu.memory_space<vmem_shared>> -> memref<128x128xf32, #tpu.memory_space<vmem_shared>>
        %dma_start3A_36 = arith.constant 0 : i32
        %dma_start3A_37 = tpu.memref_slice %arg7[%add3A, %dma_start3A_36] : memref<10240x128xf32, #tpu.memory_space<vmem_shared>> -> memref<128x128xf32, #tpu.memory_space<vmem_shared>>
        tpu.enqueue_dma source(%arg8 : memref<128x128xf32, #tpu.memory_space<vmem>>) target(%dma_start3A_37 : memref<128x128xf32, #tpu.memory_space<vmem_shared>>) target_semaphore(%run_scoped3A : memref<!tpu.dma_semaphore, #tpu.memory_space<semaphore_mem>>)
        %dma_wait3A = arith.constant 0 : i32
        %dma_wait3A_38 = tpu.memref_slice %arg7[%add3A, %dma_wait3A] : memref<10240x128xf32, #tpu.memory_space<vmem_shared>> -> memref<128x128xf32, #tpu.memory_space<vmem_shared>>
        %dma_wait3A_39 = arith.constant 0 : i32
        %dma_wait3A_40 = tpu.memref_slice %arg7[%add3A, %dma_wait3A_39] : memref<10240x128xf32, #tpu.memory_space<vmem_shared>> -> memref<128x128xf32, #tpu.memory_space<vmem_shared>>
        tpu.wait_dma2 semaphore(%run_scoped3A : memref<!tpu.dma_semaphore, #tpu.memory_space<semaphore_mem>>) src(%arg8 : memref<128x128xf32, #tpu.memory_space<vmem>>) dst(%dma_wait3A_40 : memref<128x128xf32, #tpu.memory_space<vmem_shared>>)
        tpu.yield
      }) : () -> ()
      %scan3A_34 = arith.constant 0 : i32
      scf.yield %scan3A_34 : i32
    }
    %scan3A_13 = arith.constant 5 : i32
    %barrier3A = arith.constant 0 : index
    tpu.barrier barrier_id(%barrier3A)
    %scan3A_14 = arith.constant 0 : i32
    %scan3A_15 = arith.constant 0 : i32
    %scan3A_16 = arith.constant 157 : i32
    %scan3A_17 = arith.addi %scan3A_15, %scan3A_16 : i32
    %scan3A_18 = arith.constant 1 : i32
    %scan3A_19 = scf.for %scan3A_29 = %scan3A_15 to %scan3A_17 step %scan3A_18 iter_args(%scan3A_30 = %scan3A_14) -> (i32)  : i32 {
      %mul3A = arith.constant 20096 : i32
      %mul3A_31 = arith.muli %arg1, %mul3A : i32
      %mul3A_32 = arith.constant 128 : i32
      %mul3A_33 = arith.muli %scan3A_29, %mul3A_32 : i32
      %add3A = arith.addi %mul3A_31, %mul3A_33 : i32
      "tpu.region"() ({
        %run_scoped3A = tpu.sem_alloc : memref<!tpu.dma_semaphore, #tpu.memory_space<semaphore_mem>>
        %dma_start3A = tpu.memref_slice %arg4[%add3A] : memref<321536xi32, #tpu.memory_space<hbm>> -> memref<128xi32, #tpu.memory_space<hbm>>
        %dma_start3A_42 = tpu.memref_slice %arg4[%add3A] : memref<321536xi32, #tpu.memory_space<hbm>> -> memref<128xi32, #tpu.memory_space<hbm>>
        tpu.enqueue_dma source(%dma_start3A_42 : memref<128xi32, #tpu.memory_space<hbm>>) target(%arg9 : memref<128xi32, #tpu.memory_space<vmem>>) target_semaphore(%run_scoped3A : memref<!tpu.dma_semaphore, #tpu.memory_space<semaphore_mem>>)
        %dma_wait3A = tpu.memref_slice %arg4[%add3A] : memref<321536xi32, #tpu.memory_space<hbm>> -> memref<128xi32, #tpu.memory_space<hbm>>
        %dma_wait3A_43 = tpu.memref_slice %arg4[%add3A] : memref<321536xi32, #tpu.memory_space<hbm>> -> memref<128xi32, #tpu.memory_space<hbm>>
        tpu.wait_dma2 semaphore(%run_scoped3A : memref<!tpu.dma_semaphore, #tpu.memory_space<semaphore_mem>>) src(%dma_wait3A_43 : memref<128xi32, #tpu.memory_space<hbm>>) dst(%arg9 : memref<128xi32, #tpu.memory_space<vmem>>)
        tpu.yield
      }) : () -> ()
      "tpu.region"() ({
        %run_scoped3A = tpu.sem_alloc : memref<!tpu.dma_semaphore, #tpu.memory_space<semaphore_mem>>
        %dma_start3A = tpu.memref_slice %arg5[%add3A] : memref<321536xi32, #tpu.memory_space<hbm>> -> memref<128xi32, #tpu.memory_space<hbm>>
        %dma_start3A_42 = tpu.memref_slice %arg5[%add3A] : memref<321536xi32, #tpu.memory_space<hbm>> -> memref<128xi32, #tpu.memory_space<hbm>>
        tpu.enqueue_dma source(%dma_start3A_42 : memref<128xi32, #tpu.memory_space<hbm>>) target(%arg10 : memref<128xi32, #tpu.memory_space<vmem>>) target_semaphore(%run_scoped3A : memref<!tpu.dma_semaphore, #tpu.memory_space<semaphore_mem>>)
        %dma_wait3A = tpu.memref_slice %arg5[%add3A] : memref<321536xi32, #tpu.memory_space<hbm>> -> memref<128xi32, #tpu.memory_space<hbm>>
        %dma_wait3A_43 = tpu.memref_slice %arg5[%add3A] : memref<321536xi32, #tpu.memory_space<hbm>> -> memref<128xi32, #tpu.memory_space<hbm>>
        tpu.wait_dma2 semaphore(%run_scoped3A : memref<!tpu.dma_semaphore, #tpu.memory_space<semaphore_mem>>) src(%dma_wait3A_43 : memref<128xi32, #tpu.memory_space<hbm>>) dst(%arg10 : memref<128xi32, #tpu.memory_space<vmem>>)
        tpu.yield
      }) : () -> ()
      %eq3A = arith.constant 0 : i32
      %eq3A_34 = arith.cmpi eq, %arg0, %eq3A : i32
      %convert_element_type3A = arith.extui %eq3A_34 : i1 to i32
      %cond3A = arith.constant 0 : i32
      %cond3A_35 = arith.cmpi ne, %convert_element_type3A, %cond3A : i32
      scf.if %cond3A_35 {
        %dma_start3A = arith.constant 0 : i32
        %dma_start3A_42 = arith.constant 0 : i32
        %dma_start3A_43 = tpu.memref_slice %arg2[%dma_start3A, %dma_start3A_42] : memref<10240x128xf32, #tpu.memory_space<hbm>> -> memref<10240x128xf32, #tpu.memory_space<hbm>>
        tpu.enqueue_indirect_dma source(%dma_start3A_43 : memref<10240x128xf32, #tpu.memory_space<hbm>>) target(%arg11 : memref<128x128xf32, #tpu.memory_space<vmem>>) offsets(%arg9 : memref<128xi32, #tpu.memory_space<vmem>>) semaphore(%arg12 : memref<!tpu.dma_semaphore, #tpu.memory_space<semaphore_mem>>)
        %dma_wait3A = arith.constant 0 : i32
        %dma_wait3A_44 = arith.constant 0 : i32
        %dma_wait3A_45 = tpu.memref_slice %arg2[%dma_wait3A, %dma_wait3A_44] : memref<10240x128xf32, #tpu.memory_space<hbm>> -> memref<10240x128xf32, #tpu.memory_space<hbm>>
        tpu.wait_indirect_dma semaphore(%arg12 : memref<!tpu.dma_semaphore, #tpu.memory_space<semaphore_mem>>) src(%dma_wait3A_45 : memref<10240x128xf32, #tpu.memory_space<hbm>>) dst(%arg11 : memref<128x128xf32, #tpu.memory_space<vmem>>)
      } else {
      }
      %eq3A_36 = arith.constant 1 : i32
      %eq3A_37 = arith.cmpi eq, %arg0, %eq3A_36 : i32
      %convert_element_type3A_38 = arith.extui %eq3A_37 : i1 to i32
      %cond3A_39 = arith.constant 0 : i32
      %cond3A_40 = arith.cmpi ne, %convert_element_type3A_38, %cond3A_39 : i32
      scf.if %cond3A_40 {
        %dma_start3A = arith.constant 0 : i32
        %dma_start3A_42 = arith.constant 0 : i32
        %dma_start3A_43 = tpu.memref_slice %arg3[%dma_start3A, %dma_start3A_42] : memref<10240x128xf32, #tpu.memory_space<hbm>> -> memref<10240x128xf32, #tpu.memory_space<hbm>>
        tpu.enqueue_indirect_dma source(%dma_start3A_43 : memref<10240x128xf32, #tpu.memory_space<hbm>>) target(%arg11 : memref<128x128xf32, #tpu.memory_space<vmem>>) offsets(%arg9 : memref<128xi32, #tpu.memory_space<vmem>>) semaphore(%arg12 : memref<!tpu.dma_semaphore, #tpu.memory_space<semaphore_mem>>)
        %dma_wait3A = arith.constant 0 : i32
        %dma_wait3A_44 = arith.constant 0 : i32
        %dma_wait3A_45 = tpu.memref_slice %arg3[%dma_wait3A, %dma_wait3A_44] : memref<10240x128xf32, #tpu.memory_space<hbm>> -> memref<10240x128xf32, #tpu.memory_space<hbm>>
        tpu.wait_indirect_dma semaphore(%arg12 : memref<!tpu.dma_semaphore, #tpu.memory_space<semaphore_mem>>) src(%dma_wait3A_45 : memref<10240x128xf32, #tpu.memory_space<hbm>>) dst(%arg11 : memref<128x128xf32, #tpu.memory_space<vmem>>)
      } else {
      }
      "tpu.region"() ({
        %run_scoped3A = tpu.sem_alloc : memref<!tpu.dma_semaphore, #tpu.memory_space<semaphore_mem>>
        %dma_start3A = arith.constant 0 : i32
        %dma_start3A_42 = arith.constant 0 : i32
        %dma_start3A_43 = tpu.memref_slice %arg7[%dma_start3A, %dma_start3A_42] : memref<10240x128xf32, #tpu.memory_space<vmem_shared>> -> memref<10240x128xf32, #tpu.memory_space<vmem_shared>>
        tpu.enqueue_indirect_dma source(%arg11 : memref<128x128xf32, #tpu.memory_space<vmem>>) target(%dma_start3A_43 : memref<10240x128xf32, #tpu.memory_space<vmem_shared>>) offsets(%arg10 : memref<128xi32, #tpu.memory_space<vmem>>) semaphore(%run_scoped3A : memref<!tpu.dma_semaphore, #tpu.memory_space<semaphore_mem>>) {add = true}
        %dma_wait3A = arith.constant 0 : i32
        %dma_wait3A_44 = arith.constant 0 : i32
        %dma_wait3A_45 = tpu.memref_slice %arg7[%dma_wait3A, %dma_wait3A_44] : memref<10240x128xf32, #tpu.memory_space<vmem_shared>> -> memref<10240x128xf32, #tpu.memory_space<vmem_shared>>
        tpu.wait_indirect_dma semaphore(%run_scoped3A : memref<!tpu.dma_semaphore, #tpu.memory_space<semaphore_mem>>) src(%arg11 : memref<128x128xf32, #tpu.memory_space<vmem>>) dst(%dma_wait3A_45 : memref<10240x128xf32, #tpu.memory_space<vmem_shared>>)
        tpu.yield
      }) : () -> ()
      %scan3A_41 = arith.constant 0 : i32
      scf.yield %scan3A_41 : i32
    }
    %scan3A_20 = arith.constant 157 : i32
    %barrier3A_21 = arith.constant 0 : index
    tpu.barrier barrier_id(%barrier3A_21)
    %scan3A_22 = arith.constant 0 : i32
    %scan3A_23 = arith.constant 0 : i32
    %scan3A_24 = arith.constant 5 : i32
    %scan3A_25 = arith.addi %scan3A_23, %scan3A_24 : i32
    %scan3A_26 = arith.constant 1 : i32
    %scan3A_27 = scf.for %scan3A_29 = %scan3A_23 to %scan3A_25 step %scan3A_26 iter_args(%scan3A_30 = %scan3A_22) -> (i32)  : i32 {
      %mul3A = arith.constant 640 : i32
      %mul3A_31 = arith.muli %arg1, %mul3A : i32
      %mul3A_32 = arith.constant 128 : i32
      %mul3A_33 = arith.muli %scan3A_29, %mul3A_32 : i32
      %add3A = arith.addi %mul3A_31, %mul3A_33 : i32
      "tpu.region"() ({
        %run_scoped3A = tpu.sem_alloc : memref<!tpu.dma_semaphore, #tpu.memory_space<semaphore_mem>>
        %dma_start3A = arith.constant 0 : i32
        %dma_start3A_35 = tpu.memref_slice %arg6[%arg0, %add3A, %dma_start3A] : memref<2x10240x128xf32, #tpu.memory_space<hbm>> -> memref<1x128x128xf32, #tpu.memory_space<hbm>>
        %dma_start3A_36 = tpu.memref_squeeze %dma_start3A_35 : memref<1x128x128xf32, #tpu.memory_space<hbm>> -> memref<128x128xf32, #tpu.memory_space<hbm>>
        %dma_start3A_37 = arith.constant 0 : i32
        %dma_start3A_38 = tpu.memref_slice %arg7[%add3A, %dma_start3A_37] : memref<10240x128xf32, #tpu.memory_space<vmem_shared>> -> memref<128x128xf32, #tpu.memory_space<vmem_shared>>
        tpu.enqueue_dma source(%dma_start3A_38 : memref<128x128xf32, #tpu.memory_space<vmem_shared>>) target(%dma_start3A_36 : memref<128x128xf32, #tpu.memory_space<hbm>>) target_semaphore(%run_scoped3A : memref<!tpu.dma_semaphore, #tpu.memory_space<semaphore_mem>>)
        %dma_wait3A = arith.constant 0 : i32
        %dma_wait3A_39 = tpu.memref_slice %arg6[%arg0, %add3A, %dma_wait3A] : memref<2x10240x128xf32, #tpu.memory_space<hbm>> -> memref<1x128x128xf32, #tpu.memory_space<hbm>>
        %dma_wait3A_40 = tpu.memref_squeeze %dma_wait3A_39 : memref<1x128x128xf32, #tpu.memory_space<hbm>> -> memref<128x128xf32, #tpu.memory_space<hbm>>
        %dma_wait3A_41 = arith.constant 0 : i32
        %dma_wait3A_42 = tpu.memref_slice %arg7[%add3A, %dma_wait3A_41] : memref<10240x128xf32, #tpu.memory_space<vmem_shared>> -> memref<128x128xf32, #tpu.memory_space<vmem_shared>>
        tpu.wait_dma2 semaphore(%run_scoped3A : memref<!tpu.dma_semaphore, #tpu.memory_space<semaphore_mem>>) src(%dma_wait3A_42 : memref<128x128xf32, #tpu.memory_space<vmem_shared>>) dst(%dma_wait3A_40 : memref<128x128xf32, #tpu.memory_space<hbm>>)
        tpu.yield
      }) : () -> ()
      %scan3A_34 = arith.constant 0 : i32
      scf.yield %scan3A_34 : i32
    }
    %scan3A_28 = arith.constant 5 : i32
    return
  }
}

module attributes {stable_mosaic.version = 14 : i64} {
  func.func @_t1_body(%arg0: i32, %arg1: memref<512x128xf32, #tpu.memory_space<vmem>>, %arg2: memref<2x512x128xf32, #tpu.memory_space<vmem>>, %arg3: memref<128x256xf32, #tpu.memory_space<vmem>>, %arg4: memref<512x128xf32, #tpu.memory_space<vmem>>, %arg5: memref<512x128xf32, #tpu.memory_space<vmem>>) attributes {dimension_semantics = [#tpu.dimension_semantics<arbitrary>], iteration_bounds = array<i64: 20>, scalar_prefetch = 0 : i64, scratch_operands = 0 : i64, tpu.core_type = #tpu.core_type<tc>, window_params = [{transform_indices = @transform_0, window_bounds = array<i64: 512, 128>}, {transform_indices = @transform_1, window_bounds = array<i64: 2, 512, 128>}, {pipeline_mode = #tpu.pipeline_mode<synchronous>, transform_indices = @transform_2, window_bounds = array<i64: 128, 256>}, {transform_indices = @transform_3, window_bounds = array<i64: 512, 128>}, {transform_indices = @transform_4, window_bounds = array<i64: 512, 128>}]} {
    %get3A = arith.constant 0 : index
    %get3A_0 = arith.constant 0 : index
    %get3A_1 = arith.constant 0 : index
    %get3A_2 = vector.load %arg2[%get3A, %get3A_0, %get3A_1] : memref<2x512x128xf32, #tpu.memory_space<vmem>>, vector<1x512x1xf32>
    %get3A_3 = vector.shape_cast %get3A_2 : vector<1x512x1xf32> to vector<512x1xf32>
    %get3A_4 = arith.constant 1 : index
    %get3A_5 = arith.constant 0 : index
    %get3A_6 = arith.constant 0 : index
    %get3A_7 = vector.load %arg2[%get3A_4, %get3A_5, %get3A_6] : memref<2x512x128xf32, #tpu.memory_space<vmem>>, vector<1x512x1xf32>
    %get3A_8 = vector.shape_cast %get3A_7 : vector<1x512x1xf32> to vector<512x1xf32>
    %add3A = arith.addf %get3A_3, %get3A_8 : vector<512x1xf32>
    %add3A_9 = arith.constant 1.000000e+00 : f32
    %add3A_10 = vector.broadcast %add3A_9 : f32 to vector<512x1xf32>
    %add3A_11 = arith.addf %add3A, %add3A_10 : vector<512x1xf32>
    %rsqrt3A = math.rsqrt %add3A_11 : vector<512x1xf32>
    %get3A_12 = arith.constant 0 : index
    %get3A_13 = arith.constant 0 : index
    %get3A_14 = vector.load %arg1[%get3A_12, %get3A_13] : memref<512x128xf32, #tpu.memory_space<vmem>>, vector<512x128xf32>
    %get3A_15 = arith.constant 0 : index
    %get3A_16 = arith.constant 0 : index
    %get3A_17 = vector.load %arg3[%get3A_15, %get3A_16] : memref<128x256xf32, #tpu.memory_space<vmem>>, vector<128x256xf32>
    %dot_general3A = arith.constant dense<0.000000e+00> : vector<512x256xf32>
    %dot_general3A_18 = tpu.matmul %get3A_14, %get3A_17, %dot_general3A {dimension_numbers = #tpu.dot_dimension_numbers<[1], [0], [0], [1], [0, 0, 1, 1], [], []>, transpose_lhs_hint = false} : vector<512x128xf32>, vector<128x256xf32>, vector<512x256xf32> -> vector<512x256xf32>
    %mul3A = vector.broadcast %rsqrt3A : vector<512x1xf32> to vector<512x256xf32>
    %mul3A_19 = arith.mulf %dot_general3A_18, %mul3A : vector<512x256xf32>
    %slice3A = vector.extract_strided_slice %mul3A_19 {offsets = [0, 0], sizes = [512, 128], strides = [1, 1]} : vector<512x256xf32> to vector<512x128xf32>
    %swap3A = arith.constant 0 : index
    %swap3A_20 = arith.constant 0 : index
    %swap3A_21 = vector.load %arg4[%swap3A, %swap3A_20] : memref<512x128xf32, #tpu.memory_space<vmem>>, vector<512x128xf32>
    tpu.vector_store %arg4[%swap3A, %swap3A_20], %slice3A {strides = array<i32>} : memref<512x128xf32, #tpu.memory_space<vmem>>, vector<512x128xf32>,
    %slice3A_22 = vector.extract_strided_slice %mul3A_19 {offsets = [0, 128], sizes = [512, 128], strides = [1, 1]} : vector<512x256xf32> to vector<512x128xf32>
    %swap3A_23 = arith.constant 0 : index
    %swap3A_24 = arith.constant 0 : index
    %swap3A_25 = vector.load %arg5[%swap3A_23, %swap3A_24] : memref<512x128xf32, #tpu.memory_space<vmem>>, vector<512x128xf32>
    tpu.vector_store %arg5[%swap3A_23, %swap3A_24], %slice3A_22 {strides = array<i32>} : memref<512x128xf32, #tpu.memory_space<vmem>>, vector<512x128xf32>,
    return
  }
  func.func @transform_0(%arg0: i32) -> (i32, i32) {
    %c0_i32 = arith.constant 0 : i32
    %c0_i32_0 = arith.constant 0 : i32
    return %arg0, %c0_i32 : i32, i32
  }
  func.func @transform_1(%arg0: i32) -> (i32, i32, i32) {
    %c0_i32 = arith.constant 0 : i32
    %c0_i32_0 = arith.constant 0 : i32
    %c0_i32_1 = arith.constant 0 : i32
    return %c0_i32, %arg0, %c0_i32_0 : i32, i32, i32
  }
  func.func @transform_2(%arg0: i32) -> (i32, i32) {
    %c0_i32 = arith.constant 0 : i32
    %c0_i32_0 = arith.constant 0 : i32
    %c0_i32_1 = arith.constant 0 : i32
    return %c0_i32, %c0_i32_0 : i32, i32
  }
  func.func @transform_3(%arg0: i32) -> (i32, i32) {
    %c0_i32 = arith.constant 0 : i32
    %c0_i32_0 = arith.constant 0 : i32
    return %arg0, %c0_i32 : i32, i32
  }
  func.func @transform_4(%arg0: i32) -> (i32, i32) {
    %c0_i32 = arith.constant 0 : i32
    %c0_i32_0 = arith.constant 0 : i32
    return %arg0, %c0_i32 : i32, i32
  }
}

module attributes {stable_mosaic.version = 14 : i64} {
  func.func @_t2_body(%arg0: i32, %arg1: memref<2x512x128xf32, #tpu.memory_space<vmem>>, %arg2: memref<512x128xf32, #tpu.memory_space<vmem>>, %arg3: memref<512x128xf32, #tpu.memory_space<vmem>>, %arg4: memref<2x512x128xf32, #tpu.memory_space<vmem>>, %arg5: memref<1x256xf32, #tpu.memory_space<vmem>>, %arg6: memref<1x256xf32, #tpu.memory_space<vmem>>, %arg7: memref<1x256xf32, #tpu.memory_space<vmem>>, %arg8: memref<256x256xf32, #tpu.memory_space<vmem>>, %arg9: memref<512x128xf32, #tpu.memory_space<vmem>>, %arg10: memref<512x128xf32, #tpu.memory_space<vmem>>) attributes {dimension_semantics = [#tpu.dimension_semantics<arbitrary>], iteration_bounds = array<i64: 20>, scalar_prefetch = 0 : i64, scratch_operands = 0 : i64, tpu.core_type = #tpu.core_type<tc>, window_params = [{transform_indices = @transform_0, window_bounds = array<i64: 2, 512, 128>}, {transform_indices = @transform_1, window_bounds = array<i64: 512, 128>}, {transform_indices = @transform_2, window_bounds = array<i64: 512, 128>}, {transform_indices = @transform_3, window_bounds = array<i64: 2, 512, 128>}, {pipeline_mode = #tpu.pipeline_mode<synchronous>, transform_indices = @transform_4, window_bounds = array<i64: 1, 256>}, {pipeline_mode = #tpu.pipeline_mode<synchronous>, transform_indices = @transform_5, window_bounds = array<i64: 1, 256>}, {pipeline_mode = #tpu.pipeline_mode<synchronous>, transform_indices = @transform_6, window_bounds = array<i64: 1, 256>}, {pipeline_mode = #tpu.pipeline_mode<synchronous>, transform_indices = @transform_7, window_bounds = array<i64: 256, 256>}, {transform_indices = @transform_8, window_bounds = array<i64: 512, 128>}, {transform_indices = @transform_9, window_bounds = array<i64: 512, 128>}]} {
    %get3A = arith.constant 0 : index
    %get3A_0 = arith.constant 0 : index
    %get3A_1 = arith.constant 0 : index
    %get3A_2 = vector.load %arg4[%get3A, %get3A_0, %get3A_1] : memref<2x512x128xf32, #tpu.memory_space<vmem>>, vector<1x512x1xf32>
    %get3A_3 = vector.shape_cast %get3A_2 : vector<1x512x1xf32> to vector<512x1xf32>
    %get3A_4 = arith.constant 1 : index
    %get3A_5 = arith.constant 0 : index
    %get3A_6 = arith.constant 0 : index
    %get3A_7 = vector.load %arg4[%get3A_4, %get3A_5, %get3A_6] : memref<2x512x128xf32, #tpu.memory_space<vmem>>, vector<1x512x1xf32>
    %get3A_8 = vector.shape_cast %get3A_7 : vector<1x512x1xf32> to vector<512x1xf32>
    %add3A = arith.addf %get3A_3, %get3A_8 : vector<512x1xf32>
    %add3A_9 = arith.constant 1.000000e+00 : f32
    %add3A_10 = vector.broadcast %add3A_9 : f32 to vector<512x1xf32>
    %add3A_11 = arith.addf %add3A, %add3A_10 : vector<512x1xf32>
    %rsqrt3A = math.rsqrt %add3A_11 : vector<512x1xf32>
    %get3A_12 = arith.constant 0 : index
    %get3A_13 = arith.constant 0 : index
    %get3A_14 = arith.constant 0 : index
    %get3A_15 = vector.load %arg1[%get3A_12, %get3A_13, %get3A_14] : memref<2x512x128xf32, #tpu.memory_space<vmem>>, vector<1x512x128xf32>
    %get3A_16 = vector.shape_cast %get3A_15 : vector<1x512x128xf32> to vector<512x128xf32>
    %get3A_17 = arith.constant 0 : index
    %get3A_18 = arith.constant 0 : index
    %get3A_19 = vector.load %arg2[%get3A_17, %get3A_18] : memref<512x128xf32, #tpu.memory_space<vmem>>, vector<512x128xf32>
    %add3A_20 = arith.addf %get3A_16, %get3A_19 : vector<512x128xf32>
    %get3A_21 = arith.constant 1 : index
    %get3A_22 = arith.constant 0 : index
    %get3A_23 = arith.constant 0 : index
    %get3A_24 = vector.load %arg1[%get3A_21, %get3A_22, %get3A_23] : memref<2x512x128xf32, #tpu.memory_space<vmem>>, vector<1x512x128xf32>
    %get3A_25 = vector.shape_cast %get3A_24 : vector<1x512x128xf32> to vector<512x128xf32>
    %get3A_26 = arith.constant 0 : index
    %get3A_27 = arith.constant 0 : index
    %get3A_28 = vector.load %arg3[%get3A_26, %get3A_27] : memref<512x128xf32, #tpu.memory_space<vmem>>, vector<512x128xf32>
    %add3A_29 = arith.addf %get3A_25, %get3A_28 : vector<512x128xf32>
    %concatenate3A = tpu.concatenate %add3A_20, %add3A_29 in 1 : vector<512x128xf32>, vector<512x128xf32> -> vector<512x256xf32>
    %mul3A = vector.broadcast %rsqrt3A : vector<512x1xf32> to vector<512x256xf32>
    %mul3A_30 = arith.mulf %concatenate3A, %mul3A : vector<512x256xf32>
    %get3A_31 = arith.constant 0 : index
    %get3A_32 = arith.constant 0 : index
    %get3A_33 = vector.load %arg5[%get3A_31, %get3A_32] : memref<1x256xf32, #tpu.memory_space<vmem>>, vector<1x256xf32>
    %add3A_34 = vector.broadcast %get3A_33 : vector<1x256xf32> to vector<512x256xf32>
    %add3A_35 = arith.addf %mul3A_30, %add3A_34 : vector<512x256xf32>
    %reduce_sum3A = arith.constant dense<0.000000e+00> : vector<512xf32>
    %reduce_sum3A_36 = vector.multi_reduction <add>, %add3A_35, %reduce_sum3A [1] : vector<512x256xf32> to vector<512xf32>
    %broadcast_in_dim3A = vector.shape_cast %reduce_sum3A_36 : vector<512xf32> to vector<512x1xf32>
    %div3A = arith.constant 2.560000e+02 : f32
    %div3A_37 = vector.broadcast %div3A : f32 to vector<512x1xf32>
    %div3A_38 = arith.divf %broadcast_in_dim3A, %div3A_37 : vector<512x1xf32>
    %sub3A = vector.broadcast %div3A_38 : vector<512x1xf32> to vector<512x256xf32>
    %sub3A_39 = arith.subf %add3A_35, %sub3A : vector<512x256xf32>
    %integer_pow3A = arith.mulf %sub3A_39, %sub3A_39 : vector<512x256xf32>
    %reduce_sum3A_40 = arith.constant dense<0.000000e+00> : vector<512xf32>
    %reduce_sum3A_41 = vector.multi_reduction <add>, %integer_pow3A, %reduce_sum3A_40 [1] : vector<512x256xf32> to vector<512xf32>
    %broadcast_in_dim3A_42 = vector.shape_cast %reduce_sum3A_41 : vector<512xf32> to vector<512x1xf32>
    %div3A_43 = arith.constant 2.560000e+02 : f32
    %div3A_44 = vector.broadcast %div3A_43 : f32 to vector<512x1xf32>
    %div3A_45 = arith.divf %broadcast_in_dim3A_42, %div3A_44 : vector<512x1xf32>
    %sub3A_46 = vector.broadcast %div3A_38 : vector<512x1xf32> to vector<512x256xf32>
    %sub3A_47 = arith.subf %add3A_35, %sub3A_46 : vector<512x256xf32>
    %add3A_48 = arith.constant 9.99999974E-6 : f32
    %add3A_49 = vector.broadcast %add3A_48 : f32 to vector<512x1xf32>
    %add3A_50 = arith.addf %div3A_45, %add3A_49 : vector<512x1xf32>
    %rsqrt3A_51 = math.rsqrt %add3A_50 : vector<512x1xf32>
    %mul3A_52 = vector.broadcast %rsqrt3A_51 : vector<512x1xf32> to vector<512x256xf32>
    %mul3A_53 = arith.mulf %sub3A_47, %mul3A_52 : vector<512x256xf32>
    %get3A_54 = arith.constant 0 : index
    %get3A_55 = arith.constant 0 : index
    %get3A_56 = vector.load %arg6[%get3A_54, %get3A_55] : memref<1x256xf32, #tpu.memory_space<vmem>>, vector<1x256xf32>
    %mul3A_57 = vector.broadcast %get3A_56 : vector<1x256xf32> to vector<512x256xf32>
    %mul3A_58 = arith.mulf %mul3A_53, %mul3A_57 : vector<512x256xf32>
    %get3A_59 = arith.constant 0 : index
    %get3A_60 = arith.constant 0 : index
    %get3A_61 = vector.load %arg7[%get3A_59, %get3A_60] : memref<1x256xf32, #tpu.memory_space<vmem>>, vector<1x256xf32>
    %add3A_62 = vector.broadcast %get3A_61 : vector<1x256xf32> to vector<512x256xf32>
    %add3A_63 = arith.addf %mul3A_58, %add3A_62 : vector<512x256xf32>
    %max3A = arith.constant 0.000000e+00 : f32
    %max3A_64 = vector.broadcast %max3A : f32 to vector<512x256xf32>
    %max3A_65 = arith.maximumf %add3A_63, %max3A_64 : vector<512x256xf32>
    %get3A_66 = arith.constant 0 : index
    %get3A_67 = arith.constant 0 : index
    %get3A_68 = vector.load %arg8[%get3A_66, %get3A_67] : memref<256x256xf32, #tpu.memory_space<vmem>>, vector<256x256xf32>
    %dot_general3A = arith.constant dense<0.000000e+00> : vector<512x256xf32>
    %dot_general3A_69 = tpu.matmul %max3A_65, %get3A_68, %dot_general3A {dimension_numbers = #tpu.dot_dimension_numbers<[1], [0], [0], [1], [0, 0, 1, 1], [], []>, transpose_lhs_hint = false} : vector<512x256xf32>, vector<256x256xf32>, vector<512x256xf32> -> vector<512x256xf32>
    %mul3A_70 = vector.broadcast %rsqrt3A : vector<512x1xf32> to vector<512x256xf32>
    %mul3A_71 = arith.mulf %dot_general3A_69, %mul3A_70 : vector<512x256xf32>
    %slice3A = vector.extract_strided_slice %mul3A_71 {offsets = [0, 0], sizes = [512, 128], strides = [1, 1]} : vector<512x256xf32> to vector<512x128xf32>
    %swap3A = arith.constant 0 : index
    %swap3A_72 = arith.constant 0 : index
    %swap3A_73 = vector.load %arg9[%swap3A, %swap3A_72] : memref<512x128xf32, #tpu.memory_space<vmem>>, vector<512x128xf32>
    tpu.vector_store %arg9[%swap3A, %swap3A_72], %slice3A {strides = array<i32>} : memref<512x128xf32, #tpu.memory_space<vmem>>, vector<512x128xf32>,
    %slice3A_74 = vector.extract_strided_slice %mul3A_71 {offsets = [0, 128], sizes = [512, 128], strides = [1, 1]} : vector<512x256xf32> to vector<512x128xf32>
    %swap3A_75 = arith.constant 0 : index
    %swap3A_76 = arith.constant 0 : index
    %swap3A_77 = vector.load %arg10[%swap3A_75, %swap3A_76] : memref<512x128xf32, #tpu.memory_space<vmem>>, vector<512x128xf32>
    tpu.vector_store %arg10[%swap3A_75, %swap3A_76], %slice3A_74 {strides = array<i32>} : memref<512x128xf32, #tpu.memory_space<vmem>>, vector<512x128xf32>,
    return
  }
  func.func @transform_0(%arg0: i32) -> (i32, i32, i32) {
    %c0_i32 = arith.constant 0 : i32
    %c0_i32_0 = arith.constant 0 : i32
    %c0_i32_1 = arith.constant 0 : i32
    return %c0_i32, %arg0, %c0_i32_0 : i32, i32, i32
  }
  func.func @transform_1(%arg0: i32) -> (i32, i32) {
    %c0_i32 = arith.constant 0 : i32
    %c0_i32_0 = arith.constant 0 : i32
    return %arg0, %c0_i32 : i32, i32
  }
  func.func @transform_2(%arg0: i32) -> (i32, i32) {
    %c0_i32 = arith.constant 0 : i32
    %c0_i32_0 = arith.constant 0 : i32
    return %arg0, %c0_i32 : i32, i32
  }
  func.func @transform_3(%arg0: i32) -> (i32, i32, i32) {
    %c0_i32 = arith.constant 0 : i32
    %c0_i32_0 = arith.constant 0 : i32
    %c0_i32_1 = arith.constant 0 : i32
    return %c0_i32, %arg0, %c0_i32_0 : i32, i32, i32
  }
  func.func @transform_4(%arg0: i32) -> (i32, i32) {
    %c0_i32 = arith.constant 0 : i32
    %c0_i32_0 = arith.constant 0 : i32
    %c0_i32_1 = arith.constant 0 : i32
    return %c0_i32, %c0_i32_0 : i32, i32
  }
  func.func @transform_5(%arg0: i32) -> (i32, i32) {
    %c0_i32 = arith.constant 0 : i32
    %c0_i32_0 = arith.constant 0 : i32
    %c0_i32_1 = arith.constant 0 : i32
    return %c0_i32, %c0_i32_0 : i32, i32
  }
  func.func @transform_6(%arg0: i32) -> (i32, i32) {
    %c0_i32 = arith.constant 0 : i32
    %c0_i32_0 = arith.constant 0 : i32
    %c0_i32_1 = arith.constant 0 : i32
    return %c0_i32, %c0_i32_0 : i32, i32
  }
  func.func @transform_7(%arg0: i32) -> (i32, i32) {
    %c0_i32 = arith.constant 0 : i32
    %c0_i32_0 = arith.constant 0 : i32
    %c0_i32_1 = arith.constant 0 : i32
    return %c0_i32, %c0_i32_0 : i32, i32
  }
  func.func @transform_8(%arg0: i32) -> (i32, i32) {
    %c0_i32 = arith.constant 0 : i32
    %c0_i32_0 = arith.constant 0 : i32
    return %arg0, %c0_i32 : i32, i32
  }
  func.func @transform_9(%arg0: i32) -> (i32, i32) {
    %c0_i32 = arith.constant 0 : i32
    %c0_i32_0 = arith.constant 0 : i32
    return %arg0, %c0_i32 : i32, i32
  }
}

module attributes {stable_mosaic.version = 14 : i64} {
  func.func @_t3_body(%arg0: i32, %arg1: memref<2x512x128xf32, #tpu.memory_space<vmem>>, %arg2: memref<512x128xf32, #tpu.memory_space<vmem>>, %arg3: memref<512x128xf32, #tpu.memory_space<vmem>>, %arg4: memref<2x512x128xf32, #tpu.memory_space<vmem>>, %arg5: memref<1x1x512xi32, #tpu.memory_space<vmem>>, %arg6: memref<1x256xf32, #tpu.memory_space<vmem>>, %arg7: memref<1x256xf32, #tpu.memory_space<vmem>>, %arg8: memref<1x256xf32, #tpu.memory_space<vmem>>, %arg9: memref<256x128xf32, #tpu.memory_space<vmem>>, %arg10: memref<1x128xf32, #tpu.memory_space<vmem>>, %arg11: memref<128x1xf32, #tpu.memory_space<vmem>>, %arg12: memref<1x1xf32, #tpu.memory_space<vmem>>, %arg13: memref<256x128xf32, #tpu.memory_space<vmem>>, %arg14: memref<1x128xf32, #tpu.memory_space<vmem>>, %arg15: memref<128x2xf32, #tpu.memory_space<vmem>>, %arg16: memref<1x2xf32, #tpu.memory_space<vmem>>, %arg17: memref<64x2xf32, #tpu.memory_space<vmem>>, %arg18: memref<8x128xf32, #tpu.memory_space<vmem>>, %arg19: memref<8x128xf32, #tpu.memory_space<vmem>>, %arg20: memref<256x128xf32, #tpu.memory_space<vmem>>) attributes {dimension_semantics = [#tpu.dimension_semantics<arbitrary>], iteration_bounds = array<i64: 20>, scalar_prefetch = 0 : i64, scratch_operands = 3 : i64, tpu.core_type = #tpu.core_type<tc>, window_params = [{transform_indices = @transform_0, window_bounds = array<i64: 2, 512, 128>}, {transform_indices = @transform_1, window_bounds = array<i64: 512, 128>}, {transform_indices = @transform_2, window_bounds = array<i64: 512, 128>}, {transform_indices = @transform_3, window_bounds = array<i64: 2, 512, 128>}, {transform_indices = @transform_4, window_bounds = array<i64: 1, 1, 512>}, {pipeline_mode = #tpu.pipeline_mode<synchronous>, transform_indices = @transform_5, window_bounds = array<i64: 1, 256>}, {pipeline_mode = #tpu.pipeline_mode<synchronous>, transform_indices = @transform_6, window_bounds = array<i64: 1, 256>}, {pipeline_mode = #tpu.pipeline_mode<synchronous>, transform_indices = @transform_7, window_bounds = array<i64: 1, 256>}, {pipeline_mode = #tpu.pipeline_mode<synchronous>, transform_indices = @transform_8, window_bounds = array<i64: 256, 128>}, {pipeline_mode = #tpu.pipeline_mode<synchronous>, transform_indices = @transform_9, window_bounds = array<i64: 1, 128>}, {pipeline_mode = #tpu.pipeline_mode<synchronous>, transform_indices = @transform_10, window_bounds = array<i64: 128, 1>}, {pipeline_mode = #tpu.pipeline_mode<synchronous>, transform_indices = @transform_11, window_bounds = array<i64: 1, 1>}, {pipeline_mode = #tpu.pipeline_mode<synchronous>, transform_indices = @transform_12, window_bounds = array<i64: 256, 128>}, {pipeline_mode = #tpu.pipeline_mode<synchronous>, transform_indices = @transform_13, window_bounds = array<i64: 1, 128>}, {pipeline_mode = #tpu.pipeline_mode<synchronous>, transform_indices = @transform_14, window_bounds = array<i64: 128, 2>}, {pipeline_mode = #tpu.pipeline_mode<synchronous>, transform_indices = @transform_15, window_bounds = array<i64: 1, 2>}, {pipeline_mode = #tpu.pipeline_mode<synchronous>, transform_indices = @transform_16, window_bounds = array<i64: 64, 2>}]} {
    %eq3A = arith.constant 0 : i32
    %eq3A_0 = arith.cmpi eq, %arg0, %eq3A : i32
    %convert_element_type3A = arith.extui %eq3A_0 : i1 to i32
    %cond3A = arith.constant 0 : i32
    %cond3A_1 = arith.cmpi ne, %convert_element_type3A, %cond3A : i32
    scf.if %cond3A_1 {
      %broadcast_in_dim3A_151 = arith.constant 0xFF800000 : f32
      %broadcast_in_dim3A_152 = vector.broadcast %broadcast_in_dim3A_151 : f32 to vector<8x128xf32>
      %swap3A_153 = arith.constant 0 : index
      %swap3A_154 = arith.constant 0 : index
      %swap3A_155 = vector.load %arg18[%swap3A_153, %swap3A_154] : memref<8x128xf32, #tpu.memory_space<vmem>>, vector<8x128xf32>
      tpu.vector_store %arg18[%swap3A_153, %swap3A_154], %broadcast_in_dim3A_152 {strides = array<i32>} : memref<8x128xf32, #tpu.memory_space<vmem>>, vector<8x128xf32>,
      %broadcast_in_dim3A_156 = arith.constant 0.000000e+00 : f32
      %broadcast_in_dim3A_157 = vector.broadcast %broadcast_in_dim3A_156 : f32 to vector<8x128xf32>
      %swap3A_158 = arith.constant 0 : index
      %swap3A_159 = arith.constant 0 : index
      %swap3A_160 = vector.load %arg19[%swap3A_158, %swap3A_159] : memref<8x128xf32, #tpu.memory_space<vmem>>, vector<8x128xf32>
      tpu.vector_store %arg19[%swap3A_158, %swap3A_159], %broadcast_in_dim3A_157 {strides = array<i32>} : memref<8x128xf32, #tpu.memory_space<vmem>>, vector<8x128xf32>,
      %broadcast_in_dim3A_161 = arith.constant 0.000000e+00 : f32
      %broadcast_in_dim3A_162 = vector.broadcast %broadcast_in_dim3A_161 : f32 to vector<256x128xf32>
      %swap3A_163 = arith.constant 0 : index
      %swap3A_164 = arith.constant 0 : index
      %swap3A_165 = vector.load %arg20[%swap3A_163, %swap3A_164] : memref<256x128xf32, #tpu.memory_space<vmem>>, vector<256x128xf32>
      tpu.vector_store %arg20[%swap3A_163, %swap3A_164], %broadcast_in_dim3A_162 {strides = array<i32>} : memref<256x128xf32, #tpu.memory_space<vmem>>, vector<256x128xf32>,
    } else {
    }
    %get3A = arith.constant 0 : index
    %get3A_2 = arith.constant 0 : index
    %get3A_3 = arith.constant 0 : index
    %get3A_4 = vector.load %arg4[%get3A, %get3A_2, %get3A_3] : memref<2x512x128xf32, #tpu.memory_space<vmem>>, vector<1x512x1xf32>
    %get3A_5 = vector.shape_cast %get3A_4 : vector<1x512x1xf32> to vector<512x1xf32>
    %get3A_6 = arith.constant 1 : index
    %get3A_7 = arith.constant 0 : index
    %get3A_8 = arith.constant 0 : index
    %get3A_9 = vector.load %arg4[%get3A_6, %get3A_7, %get3A_8] : memref<2x512x128xf32, #tpu.memory_space<vmem>>, vector<1x512x1xf32>
    %get3A_10 = vector.shape_cast %get3A_9 : vector<1x512x1xf32> to vector<512x1xf32>
    %add3A = arith.addf %get3A_5, %get3A_10 : vector<512x1xf32>
    %add3A_11 = arith.constant 1.000000e+00 : f32
    %add3A_12 = vector.broadcast %add3A_11 : f32 to vector<512x1xf32>
    %add3A_13 = arith.addf %add3A, %add3A_12 : vector<512x1xf32>
    %rsqrt3A = math.rsqrt %add3A_13 : vector<512x1xf32>
    %get3A_14 = arith.constant 0 : index
    %get3A_15 = arith.constant 0 : index
    %get3A_16 = arith.constant 0 : index
    %get3A_17 = vector.load %arg1[%get3A_14, %get3A_15, %get3A_16] : memref<2x512x128xf32, #tpu.memory_space<vmem>>, vector<1x512x128xf32>
    %get3A_18 = vector.shape_cast %get3A_17 : vector<1x512x128xf32> to vector<512x128xf32>
    %get3A_19 = arith.constant 0 : index
    %get3A_20 = arith.constant 0 : index
    %get3A_21 = vector.load %arg2[%get3A_19, %get3A_20] : memref<512x128xf32, #tpu.memory_space<vmem>>, vector<512x128xf32>
    %add3A_22 = arith.addf %get3A_18, %get3A_21 : vector<512x128xf32>
    %get3A_23 = arith.constant 1 : index
    %get3A_24 = arith.constant 0 : index
    %get3A_25 = arith.constant 0 : index
    %get3A_26 = vector.load %arg1[%get3A_23, %get3A_24, %get3A_25] : memref<2x512x128xf32, #tpu.memory_space<vmem>>, vector<1x512x128xf32>
    %get3A_27 = vector.shape_cast %get3A_26 : vector<1x512x128xf32> to vector<512x128xf32>
    %get3A_28 = arith.constant 0 : index
    %get3A_29 = arith.constant 0 : index
    %get3A_30 = vector.load %arg3[%get3A_28, %get3A_29] : memref<512x128xf32, #tpu.memory_space<vmem>>, vector<512x128xf32>
    %add3A_31 = arith.addf %get3A_27, %get3A_30 : vector<512x128xf32>
    %concatenate3A = tpu.concatenate %add3A_22, %add3A_31 in 1 : vector<512x128xf32>, vector<512x128xf32> -> vector<512x256xf32>
    %mul3A = vector.broadcast %rsqrt3A : vector<512x1xf32> to vector<512x256xf32>
    %mul3A_32 = arith.mulf %concatenate3A, %mul3A : vector<512x256xf32>
    %get3A_33 = arith.constant 0 : index
    %get3A_34 = arith.constant 0 : index
    %get3A_35 = vector.load %arg6[%get3A_33, %get3A_34] : memref<1x256xf32, #tpu.memory_space<vmem>>, vector<1x256xf32>
    %add3A_36 = vector.broadcast %get3A_35 : vector<1x256xf32> to vector<512x256xf32>
    %add3A_37 = arith.addf %mul3A_32, %add3A_36 : vector<512x256xf32>
    %reduce_sum3A = arith.constant dense<0.000000e+00> : vector<512xf32>
    %reduce_sum3A_38 = vector.multi_reduction <add>, %add3A_37, %reduce_sum3A [1] : vector<512x256xf32> to vector<512xf32>
    %broadcast_in_dim3A = vector.shape_cast %reduce_sum3A_38 : vector<512xf32> to vector<512x1xf32>
    %div3A = arith.constant 2.560000e+02 : f32
    %div3A_39 = vector.broadcast %div3A : f32 to vector<512x1xf32>
    %div3A_40 = arith.divf %broadcast_in_dim3A, %div3A_39 : vector<512x1xf32>
    %sub3A = vector.broadcast %div3A_40 : vector<512x1xf32> to vector<512x256xf32>
    %sub3A_41 = arith.subf %add3A_37, %sub3A : vector<512x256xf32>
    %integer_pow3A = arith.mulf %sub3A_41, %sub3A_41 : vector<512x256xf32>
    %reduce_sum3A_42 = arith.constant dense<0.000000e+00> : vector<512xf32>
    %reduce_sum3A_43 = vector.multi_reduction <add>, %integer_pow3A, %reduce_sum3A_42 [1] : vector<512x256xf32> to vector<512xf32>
    %broadcast_in_dim3A_44 = vector.shape_cast %reduce_sum3A_43 : vector<512xf32> to vector<512x1xf32>
    %div3A_45 = arith.constant 2.560000e+02 : f32
    %div3A_46 = vector.broadcast %div3A_45 : f32 to vector<512x1xf32>
    %div3A_47 = arith.divf %broadcast_in_dim3A_44, %div3A_46 : vector<512x1xf32>
    %sub3A_48 = vector.broadcast %div3A_40 : vector<512x1xf32> to vector<512x256xf32>
    %sub3A_49 = arith.subf %add3A_37, %sub3A_48 : vector<512x256xf32>
    %add3A_50 = arith.constant 9.99999974E-6 : f32
    %add3A_51 = vector.broadcast %add3A_50 : f32 to vector<512x1xf32>
    %add3A_52 = arith.addf %div3A_47, %add3A_51 : vector<512x1xf32>
    %rsqrt3A_53 = math.rsqrt %add3A_52 : vector<512x1xf32>
    %mul3A_54 = vector.broadcast %rsqrt3A_53 : vector<512x1xf32> to vector<512x256xf32>
    %mul3A_55 = arith.mulf %sub3A_49, %mul3A_54 : vector<512x256xf32>
    %get3A_56 = arith.constant 0 : index
    %get3A_57 = arith.constant 0 : index
    %get3A_58 = vector.load %arg7[%get3A_56, %get3A_57] : memref<1x256xf32, #tpu.memory_space<vmem>>, vector<1x256xf32>
    %mul3A_59 = vector.broadcast %get3A_58 : vector<1x256xf32> to vector<512x256xf32>
    %mul3A_60 = arith.mulf %mul3A_55, %mul3A_59 : vector<512x256xf32>
    %get3A_61 = arith.constant 0 : index
    %get3A_62 = arith.constant 0 : index
    %get3A_63 = vector.load %arg8[%get3A_61, %get3A_62] : memref<1x256xf32, #tpu.memory_space<vmem>>, vector<1x256xf32>
    %add3A_64 = vector.broadcast %get3A_63 : vector<1x256xf32> to vector<512x256xf32>
    %add3A_65 = arith.addf %mul3A_60, %add3A_64 : vector<512x256xf32>
    %max3A = arith.constant 0.000000e+00 : f32
    %max3A_66 = vector.broadcast %max3A : f32 to vector<512x256xf32>
    %max3A_67 = arith.maximumf %add3A_65, %max3A_66 : vector<512x256xf32>
    %get3A_68 = arith.constant 0 : index
    %get3A_69 = arith.constant 0 : index
    %get3A_70 = vector.load %arg9[%get3A_68, %get3A_69] : memref<256x128xf32, #tpu.memory_space<vmem>>, vector<256x128xf32>
    %dot_general3A = arith.constant dense<0.000000e+00> : vector<512x128xf32>
    %dot_general3A_71 = tpu.matmul %max3A_67, %get3A_70, %dot_general3A {dimension_numbers = #tpu.dot_dimension_numbers<[1], [0], [0], [1], [0, 0, 1, 1], [], []>, transpose_lhs_hint = false} : vector<512x256xf32>, vector<256x128xf32>, vector<512x128xf32> -> vector<512x128xf32>
    %get3A_72 = arith.constant 0 : index
    %get3A_73 = arith.constant 0 : index
    %get3A_74 = vector.load %arg10[%get3A_72, %get3A_73] : memref<1x128xf32, #tpu.memory_space<vmem>>, vector<1x128xf32>
    %add3A_75 = vector.broadcast %get3A_74 : vector<1x128xf32> to vector<512x128xf32>
    %add3A_76 = arith.addf %dot_general3A_71, %add3A_75 : vector<512x128xf32>
    %max3A_77 = arith.constant 0.000000e+00 : f32
    %max3A_78 = vector.broadcast %max3A_77 : f32 to vector<512x128xf32>
    %max3A_79 = arith.maximumf %add3A_76, %max3A_78 : vector<512x128xf32>
    %get3A_80 = arith.constant 0 : index
    %get3A_81 = arith.constant 0 : index
    %get3A_82 = vector.load %arg11[%get3A_80, %get3A_81] : memref<128x1xf32, #tpu.memory_space<vmem>>, vector<128x1xf32>
    %dot_general3A_83 = arith.constant dense<0.000000e+00> : vector<512x1xf32>
    %dot_general3A_84 = tpu.matmul %max3A_79, %get3A_82, %dot_general3A_83 {dimension_numbers = #tpu.dot_dimension_numbers<[1], [0], [0], [1], [0, 0, 1, 1], [], []>, transpose_lhs_hint = false} : vector<512x128xf32>, vector<128x1xf32>, vector<512x1xf32> -> vector<512x1xf32>
    %get3A_85 = arith.constant 0 : index
    %get3A_86 = arith.constant 0 : index
    %get3A_87 = vector.load %arg12[%get3A_85, %get3A_86] : memref<1x1xf32, #tpu.memory_space<vmem>>, vector<1x1xf32>
    %get3A_88 = vector.extract %get3A_87[0, 0] : f32 from vector<1x1xf32>
    %add3A_89 = vector.broadcast %get3A_88 : f32 to vector<512x1xf32>
    %add3A_90 = arith.addf %dot_general3A_84, %add3A_89 : vector<512x1xf32>
    %get3A_91 = arith.constant 0 : index
    %get3A_92 = arith.constant 0 : index
    %get3A_93 = arith.constant 0 : index
    %get3A_94 = vector.load %arg5[%get3A_91, %get3A_92, %get3A_93] : memref<1x1x512xi32, #tpu.memory_space<vmem>>, vector<1x1x512xi32>
    %get3A_95 = vector.shape_cast %get3A_94 : vector<1x1x512xi32> to vector<512xi32>
    %iota3A = tpu.iota {dimensions = array<i32: 1>} : vector<1x128xi32>
    %broadcast_in_dim3A_96 = vector.shape_cast %get3A_95 : vector<512xi32> to vector<512x1xi32>
    %eq3A_97 = vector.broadcast %broadcast_in_dim3A_96 : vector<512x1xi32> to vector<512x128xi32>
    %eq3A_98 = vector.broadcast %iota3A : vector<1x128xi32> to vector<512x128xi32>
    %eq3A_99 = arith.cmpi eq, %eq3A_97, %eq3A_98 : vector<512x128xi32>
    %jit3A = arith.constant 0xFF800000 : f32
    %broadcast_in_dim3A_100 = vector.shape_cast %add3A_90 : vector<512x1xf32> to vector<512x1xf32>
    %broadcast_in_dim3A_101 = vector.broadcast %broadcast_in_dim3A_100 : vector<512x1xf32> to vector<512x128xf32>
    %broadcast_in_dim3A_102 = vector.broadcast %jit3A : f32 to vector<512x128xf32>
    %select_n3A = arith.select %eq3A_99, %broadcast_in_dim3A_101, %broadcast_in_dim3A_102 : vector<512x128xi1>, vector<512x128xf32>
    %reduce_max3A = arith.constant dense<0xFF800000> : vector<128xf32>
    %reduce_max3A_103 = vector.multi_reduction <maximumf>, %select_n3A, %reduce_max3A [0] : vector<512x128xf32> to vector<128xf32>
    %broadcast_in_dim3A_104 = vector.shape_cast %reduce_max3A_103 : vector<128xf32> to vector<1x128xf32>
    %get3A_105 = arith.constant 0 : index
    %get3A_106 = arith.constant 0 : index
    %get3A_107 = vector.load %arg18[%get3A_105, %get3A_106] : memref<8x128xf32, #tpu.memory_space<vmem>>, vector<1x128xf32>
    %max3A_108 = arith.maximumf %get3A_107, %broadcast_in_dim3A_104 : vector<1x128xf32>
    %eq3A_109 = arith.constant 0xFF800000 : f32
    %eq3A_110 = vector.broadcast %eq3A_109 : f32 to vector<1x128xf32>
    %eq3A_111 = arith.cmpf oeq, %get3A_107, %eq3A_110 : vector<1x128xf32>
    %sub3A_112 = arith.subf %get3A_107, %max3A_108 : vector<1x128xf32>
    %exp3A = math.exp %sub3A_112 : vector<1x128xf32>
    %jit3A_113 = arith.constant 0.000000e+00 : f32
    %broadcast_in_dim3A_114 = vector.broadcast %jit3A_113 : f32 to vector<1x128xf32>
    %select_n3A_115 = arith.select %eq3A_111, %broadcast_in_dim3A_114, %exp3A : vector<1x128xi1>, vector<1x128xf32>
    %sub3A_116 = vector.broadcast %max3A_108 : vector<1x128xf32> to vector<512x128xf32>
    %sub3A_117 = arith.subf %select_n3A, %sub3A_116 : vector<512x128xf32>
    %exp3A_118 = math.exp %sub3A_117 : vector<512x128xf32>
    %jit3A_119 = arith.constant 0.000000e+00 : f32
    %broadcast_in_dim3A_120 = vector.broadcast %jit3A_119 : f32 to vector<512x128xf32>
    %select_n3A_121 = arith.select %eq3A_99, %exp3A_118, %broadcast_in_dim3A_120 : vector<512x128xi1>, vector<512x128xf32>
    %get3A_122 = arith.constant 0 : index
    %get3A_123 = arith.constant 0 : index
    %get3A_124 = vector.load %arg19[%get3A_122, %get3A_123] : memref<8x128xf32, #tpu.memory_space<vmem>>, vector<1x128xf32>
    %mul3A_125 = arith.mulf %get3A_124, %select_n3A_115 : vector<1x128xf32>
    %reduce_sum3A_126 = arith.constant dense<0.000000e+00> : vector<128xf32>
    %reduce_sum3A_127 = vector.multi_reduction <add>, %select_n3A_121, %reduce_sum3A_126 [0] : vector<512x128xf32> to vector<128xf32>
    %broadcast_in_dim3A_128 = vector.shape_cast %reduce_sum3A_127 : vector<128xf32> to vector<1x128xf32>
    %add3A_129 = arith.addf %mul3A_125, %broadcast_in_dim3A_128 : vector<1x128xf32>
    %swap3A = arith.constant 0 : index
    %swap3A_130 = arith.constant 0 : index
    %swap3A_131 = vector.load %arg19[%swap3A, %swap3A_130] : memref<8x128xf32, #tpu.memory_space<vmem>>, vector<1x128xf32>
    tpu.vector_store %arg19[%swap3A, %swap3A_130], %add3A_129 {strides = array<i32>} : memref<8x128xf32, #tpu.memory_space<vmem>>, vector<1x128xf32>,
    %get3A_132 = arith.constant 0 : index
    %get3A_133 = arith.constant 0 : index
    %get3A_134 = vector.load %arg20[%get3A_132, %get3A_133] : memref<256x128xf32, #tpu.memory_space<vmem>>, vector<256x128xf32>
    %mul3A_135 = vector.broadcast %select_n3A_115 : vector<1x128xf32> to vector<256x128xf32>
    %mul3A_136 = arith.mulf %get3A_134, %mul3A_135 : vector<256x128xf32>
    %dot_general3A_137 = arith.constant dense<0.000000e+00> : vector<256x128xf32>
    %dot_general3A_138 = tpu.matmul %max3A_67, %select_n3A_121, %dot_general3A_137 {dimension_numbers = #tpu.dot_dimension_numbers<[0], [0], [1], [1], [0, 1, 1, 1], [], []>, transpose_lhs_hint = false} : vector<512x256xf32>, vector<512x128xf32>, vector<256x128xf32> -> vector<256x128xf32>
    %add3A_139 = arith.addf %mul3A_136, %dot_general3A_138 : vector<256x128xf32>
    %swap3A_140 = arith.constant 0 : index
    %swap3A_141 = arith.constant 0 : index
    %swap3A_142 = vector.load %arg20[%swap3A_140, %swap3A_141] : memref<256x128xf32, #tpu.memory_space<vmem>>, vector<256x128xf32>
    tpu.vector_store %arg20[%swap3A_140, %swap3A_141], %add3A_139 {strides = array<i32>} : memref<256x128xf32, #tpu.memory_space<vmem>>, vector<256x128xf32>,
    %swap3A_143 = arith.constant 0 : index
    %swap3A_144 = arith.constant 0 : index
    %swap3A_145 = vector.load %arg18[%swap3A_143, %swap3A_144] : memref<8x128xf32, #tpu.memory_space<vmem>>, vector<1x128xf32>
    tpu.vector_store %arg18[%swap3A_143, %swap3A_144], %max3A_108 {strides = array<i32>} : memref<8x128xf32, #tpu.memory_space<vmem>>, vector<1x128xf32>,
    %eq3A_146 = arith.constant 19 : i32
    %eq3A_147 = arith.cmpi eq, %arg0, %eq3A_146 : i32
    %convert_element_type3A_148 = arith.extui %eq3A_147 : i1 to i32
    %cond3A_149 = arith.constant 0 : i32
    %cond3A_150 = arith.cmpi ne, %convert_element_type3A_148, %cond3A_149 : i32
    scf.if %cond3A_150 {
      %get3A_151 = arith.constant 0 : index
      %get3A_152 = arith.constant 0 : index
      %get3A_153 = vector.load %arg19[%get3A_151, %get3A_152] : memref<8x128xf32, #tpu.memory_space<vmem>>, vector<1x128xf32>
      %gt3A = arith.constant 0.000000e+00 : f32
      %gt3A_154 = vector.broadcast %gt3A : f32 to vector<1x128xf32>
      %gt3A_155 = arith.cmpf ogt, %get3A_153, %gt3A_154 : vector<1x128xf32>
      %get3A_156 = arith.constant 0 : index
      %get3A_157 = arith.constant 0 : index
      %get3A_158 = vector.load %arg20[%get3A_156, %get3A_157] : memref<256x128xf32, #tpu.memory_space<vmem>>, vector<256x128xf32>
      %div3A_159 = vector.broadcast %get3A_153 : vector<1x128xf32> to vector<256x128xf32>
      %div3A_160 = arith.divf %get3A_158, %div3A_159 : vector<256x128xf32>
      %jit3A_161 = arith.constant 0.000000e+00 : f32
      %broadcast_in_dim3A_162 = vector.shape_cast %gt3A_155 : vector<1x128xi1> to vector<1x128xi1>
      %broadcast_in_dim3A_163 = vector.broadcast %broadcast_in_dim3A_162 : vector<1x128xi1> to vector<256x128xi1>
      %broadcast_in_dim3A_164 = vector.broadcast %jit3A_161 : f32 to vector<256x128xf32>
      %select_n3A_165 = arith.select %broadcast_in_dim3A_163, %div3A_160, %broadcast_in_dim3A_164 : vector<256x128xi1>, vector<256x128xf32>
      %get3A_166 = arith.constant 0 : index
      %get3A_167 = arith.constant 0 : index
      %get3A_168 = vector.load %arg13[%get3A_166, %get3A_167] : memref<256x128xf32, #tpu.memory_space<vmem>>, vector<256x128xf32>
      %dot_general3A_169 = arith.constant dense<0.000000e+00> : vector<128x128xf32>
      %dot_general3A_170 = tpu.matmul %select_n3A_165, %get3A_168, %dot_general3A_169 {dimension_numbers = #tpu.dot_dimension_numbers<[0], [0], [1], [1], [0, 1, 1, 1], [], []>, transpose_lhs_hint = false} : vector<256x128xf32>, vector<256x128xf32>, vector<128x128xf32> -> vector<128x128xf32>
      %get3A_171 = arith.constant 0 : index
      %get3A_172 = arith.constant 0 : index
      %get3A_173 = vector.load %arg14[%get3A_171, %get3A_172] : memref<1x128xf32, #tpu.memory_space<vmem>>, vector<1x128xf32>
      %add3A_174 = vector.broadcast %get3A_173 : vector<1x128xf32> to vector<128x128xf32>
      %add3A_175 = arith.addf %dot_general3A_170, %add3A_174 : vector<128x128xf32>
      %max3A_176 = arith.constant 0.000000e+00 : f32
      %max3A_177 = vector.broadcast %max3A_176 : f32 to vector<128x128xf32>
      %max3A_178 = arith.maximumf %add3A_175, %max3A_177 : vector<128x128xf32>
      %get3A_179 = arith.constant 0 : index
      %get3A_180 = arith.constant 0 : index
      %get3A_181 = vector.load %arg15[%get3A_179, %get3A_180] : memref<128x2xf32, #tpu.memory_space<vmem>>, vector<128x2xf32>
      %dot_general3A_182 = arith.constant dense<0.000000e+00> : vector<128x2xf32>
      %dot_general3A_183 = tpu.matmul %max3A_178, %get3A_181, %dot_general3A_182 {dimension_numbers = #tpu.dot_dimension_numbers<[1], [0], [0], [1], [0, 0, 1, 1], [], []>, transpose_lhs_hint = false} : vector<128x128xf32>, vector<128x2xf32>, vector<128x2xf32> -> vector<128x2xf32>
      %get3A_184 = arith.constant 0 : index
      %get3A_185 = arith.constant 0 : index
      %get3A_186 = vector.load %arg16[%get3A_184, %get3A_185] : memref<1x2xf32, #tpu.memory_space<vmem>>, vector<1x2xf32>
      %add3A_187 = vector.broadcast %get3A_186 : vector<1x2xf32> to vector<128x2xf32>
      %add3A_188 = arith.addf %dot_general3A_183, %add3A_187 : vector<128x2xf32>
      %slice3A = vector.extract_strided_slice %add3A_188 {offsets = [0, 0], sizes = [64, 2], strides = [1, 1]} : vector<128x2xf32> to vector<64x2xf32>
      %swap3A_189 = arith.constant 0 : index
      %swap3A_190 = arith.constant 0 : index
      %swap3A_191 = vector.load %arg17[%swap3A_189, %swap3A_190] : memref<64x2xf32, #tpu.memory_space<vmem>>, vector<64x2xf32>
      tpu.vector_store %arg17[%swap3A_189, %swap3A_190], %slice3A {strides = array<i32>} : memref<64x2xf32, #tpu.memory_space<vmem>>, vector<64x2xf32>,
    } else {
    }
    return
  }
  func.func @transform_0(%arg0: i32) -> (i32, i32, i32) {
    %c0_i32 = arith.constant 0 : i32
    %c0_i32_0 = arith.constant 0 : i32
    %c0_i32_1 = arith.constant 0 : i32
    return %c0_i32, %arg0, %c0_i32_0 : i32, i32, i32
  }
  func.func @transform_1(%arg0: i32) -> (i32, i32) {
    %c0_i32 = arith.constant 0 : i32
    %c0_i32_0 = arith.constant 0 : i32
    return %arg0, %c0_i32 : i32, i32
  }
  func.func @transform_2(%arg0: i32) -> (i32, i32) {
    %c0_i32 = arith.constant 0 : i32
    %c0_i32_0 = arith.constant 0 : i32
    return %arg0, %c0_i32 : i32, i32
  }
  func.func @transform_3(%arg0: i32) -> (i32, i32, i32) {
    %c0_i32 = arith.constant 0 : i32
    %c0_i32_0 = arith.constant 0 : i32
    %c0_i32_1 = arith.constant 0 : i32
    return %c0_i32, %arg0, %c0_i32_0 : i32, i32, i32
  }
  func.func @transform_4(%arg0: i32) -> (i32, i32, i32) {
    %c0_i32 = arith.constant 0 : i32
    %c0_i32_0 = arith.constant 0 : i32
    %c0_i32_1 = arith.constant 0 : i32
    return %arg0, %c0_i32, %c0_i32_0 : i32, i32, i32
  }
  func.func @transform_5(%arg0: i32) -> (i32, i32) {
    %c0_i32 = arith.constant 0 : i32
    %c0_i32_0 = arith.constant 0 : i32
    %c0_i32_1 = arith.constant 0 : i32
    return %c0_i32, %c0_i32_0 : i32, i32
  }
  func.func @transform_6(%arg0: i32) -> (i32, i32) {
    %c0_i32 = arith.constant 0 : i32
    %c0_i32_0 = arith.constant 0 : i32
    %c0_i32_1 = arith.constant 0 : i32
    return %c0_i32, %c0_i32_0 : i32, i32
  }
  func.func @transform_7(%arg0: i32) -> (i32, i32) {
    %c0_i32 = arith.constant 0 : i32
    %c0_i32_0 = arith.constant 0 : i32
    %c0_i32_1 = arith.constant 0 : i32
    return %c0_i32, %c0_i32_0 : i32, i32
  }
  func.func @transform_8(%arg0: i32) -> (i32, i32) {
    %c0_i32 = arith.constant 0 : i32
    %c0_i32_0 = arith.constant 0 : i32
    %c0_i32_1 = arith.constant 0 : i32
    return %c0_i32, %c0_i32_0 : i32, i32
  }
  func.func @transform_9(%arg0: i32) -> (i32, i32) {
    %c0_i32 = arith.constant 0 : i32
    %c0_i32_0 = arith.constant 0 : i32
    %c0_i32_1 = arith.constant 0 : i32
    return %c0_i32, %c0_i32_0 : i32, i32
  }
  func.func @transform_10(%arg0: i32) -> (i32, i32) {
    %c0_i32 = arith.constant 0 : i32
    %c0_i32_0 = arith.constant 0 : i32
    %c0_i32_1 = arith.constant 0 : i32
    return %c0_i32, %c0_i32_0 : i32, i32
  }
  func.func @transform_11(%arg0: i32) -> (i32, i32) {
    %c0_i32 = arith.constant 0 : i32
    %c0_i32_0 = arith.constant 0 : i32
    %c0_i32_1 = arith.constant 0 : i32
    return %c0_i32, %c0_i32_0 : i32, i32
  }
  func.func @transform_12(%arg0: i32) -> (i32, i32) {
    %c0_i32 = arith.constant 0 : i32
    %c0_i32_0 = arith.constant 0 : i32
    %c0_i32_1 = arith.constant 0 : i32
    return %c0_i32, %c0_i32_0 : i32, i32
  }
  func.func @transform_13(%arg0: i32) -> (i32, i32) {
    %c0_i32 = arith.constant 0 : i32
    %c0_i32_0 = arith.constant 0 : i32
    %c0_i32_1 = arith.constant 0 : i32
    return %c0_i32, %c0_i32_0 : i32, i32
  }
  func.func @transform_14(%arg0: i32) -> (i32, i32) {
    %c0_i32 = arith.constant 0 : i32
    %c0_i32_0 = arith.constant 0 : i32
    %c0_i32_1 = arith.constant 0 : i32
    return %c0_i32, %c0_i32_0 : i32, i32
  }
  func.func @transform_15(%arg0: i32) -> (i32, i32) {
    %c0_i32 = arith.constant 0 : i32
    %c0_i32_0 = arith.constant 0 : i32
    %c0_i32_1 = arith.constant 0 : i32
    return %c0_i32, %c0_i32_0 : i32, i32
  }
  func.func @transform_16(%arg0: i32) -> (i32, i32) {
    %c0_i32 = arith.constant 0 : i32
    %c0_i32_0 = arith.constant 0 : i32
    %c0_i32_1 = arith.constant 0 : i32
    return %c0_i32, %c0_i32_0 : i32, i32
  }
}

</mosaic_0001>

<sc_bundles>
// kernel: kernel.11.cloned.1.call-start
scs
__scs_entry_jumppad:
0x0: {  	(pc) =	sbr.rel $0x88, $3  }
0x1: {  	(tag) =	ssettag $0x0;
	lr =	simm.s32 $0x1  }
0x2: {  	[smem:$0x3F8E] =	sst lr;
	_ =	strace $0xD0000000  }
0x3: {  	_ = 	snop  }
0x4: {  	_ = 	snop  }
0x5: {  	_ = 	snop  }
0x6: {  	_ = 	snop  }
0x7: {  	_ = 	snop  }
__scs_overlays_trampoline_lowered:
0x8: {  	[smem:$0x3F9D] =	sst s0  }
0x9: {  	[smem:$0x3F9E] =	sst s1  }
0xa: {  	[smem:$0x3F9F] =	sst s2  }
0xb: {  	[smem:$0x3FA0] =	sst s3  }
0xc: {  	[smem:$0x3FA1] =	sst s4  }
0xd: {  	[smem:$0x3FA2] =	sst s5  }
0xe: {  	[smem:$0x3FA3] =	sst s6  }
0xf: {  	[smem:$0x3FA4] =	sst s7  }
0x10: {  	[smem:$0x3FA5] =	sst s8  }
0x11: {  	[smem:$0x3FA6] =	sst s9;
	s0 =	simm.s32 @!p0 $0x0  }
0x12: {  	s1 =	sld [smem:$0x3F8C];
	s0 =	simm.s32 @p0 $0x1  }
0x13: {  	[smem:$0x3FA7] =	sst s0;
	s0 =	simm.s32 @!p1 $0x0  }
0x14: {  	s2 =	sld [smem:$0x3F8B];
	s0 =	simm.s32 @p1 $0x1  }
0x15: {  	[smem:$0x3FA8] =	sst s0;
	s0 =	simm.s32 @!p2 $0x0  }
0x16: {  	s3 =	sld [smem:$0x3FDB];
	s0 =	simm.s32 @p2 $0x1  }
0x17: {  	s4 =	simm.s32 $0x1BF5;
	[smem:$0x3FAA] =	sst s0  }
0x18: {  	s0 =	sld [smem:$0x3F8D];
	_ =	swait.ge [sflag:s4], $0x0  }
0x19: {  	s7 =	sld [smem:$0x3F8E]  }
0x1a: {  	s8 =	sadd.s32 $0xFFFFE003, lr  }
0x1b: {  	s9 =	sadd.s32 $0xFFFFFEF7, lr;
	s5 =	simm.s32 $0xFFFFFFFF;
	p2 =	slt.u32 s8, $0xFFFFF086  }
0x1c: {  	p1 =	slt.u32 s9, $0xF7A;
	s5 =	simm.s32 @!p2 $0x0  }
0x1d: {  	s5 =	simm.s32 @p1 $0x1;
	p0 =	seq.s32 s7, s2  }
0x1e: {  	s7 =	smul.u32 @!p0 $0xF7A, s2;
	p2 =	seq.s32 @!p0 s5, $0x0  }
0x1f: {  	s9 =	smul.u32 $0xF7A, s1;
	s8 =	simm.s32 @!p0 $0x1BF5;
	p2 =	por !p2, p0  }
0x20: {  	[sflag:s8] =	ssyncset.s32 @!p0 $0xFFFFF086;
	s6 =	sadd.s32 @!p0 s3, s7;
	s7 =	simm.s32 @!p0 $0x108  }
0x21: {  	s3 =	sadd.s32 s3, s9;
	s6 =	sadd.s32 @!p0 $0x88, s6;
	s7 =	simm.s32 @p2 $0x1082  }
0x22: {  	[simem:s7], [sflag:s8] =	dma.local @!p0 [hbm:s6], $0xF7A  }
0x23: {  	s9 =	sor.u32 $0xD0000000, s2;
	s6 =	simm.s32 $0x108;
	_ =	swait.ge @!p0 [sflag:s8], $0x0  }
0x24: {  	s3 =	sadd.s32 $0x88, s3;
	s6 =	simm.s32 @!p1 $0x1082;
	[sflag:s4] =	ssyncset.s32 $0xFFFFF086  }
0x25: {  	[simem:s6], [sflag:s4] =	dma.local [hbm:s3], $0xF7A  }
0x26: {  	[smem:$0x3F8E] =	sst s1;
	(tag) =	ssettag s2;
	_ =	strace s9  }
0x27: {  	s1 =	sld [smem:$0x3F9E]  }
0x28: {  	s2 =	sld [smem:$0x3F9F]  }
0x29: {  	s4 =	sld [smem:$0x3FA1]  }
0x2a: {  	p0 =	seq.s32 s5, $0x0;
	s5 =	sld [smem:$0x3FA2]  }
0x2b: {  	s6 =	sld [smem:$0x3FA3]  }
0x2c: {  	s7 =	sld [smem:$0x3FA4]  }
0x2d: {  	s3 =	simm.s32 $0x108;
	s8 =	sld [smem:$0x3FA5]  }
0x2e: {  	s3 =	simm.s32 @!p0 $0x1082;
	s9 =	sld [smem:$0x3FA6]  }
0x2f: {  	lr =	sadd.s32 s0, s3;
	s0 =	sld [smem:$0x3F9D]  }
0x30: {  	s3 =	sld [smem:$0x3FA0]  }
0x31: {  	[smem:$0x3FA9] =	sst s10  }
0x32: {  	s10 =	sld [smem:$0x3FA7];
	_ =	sdelay $0x3  }
0x33: {  	p0 =	seq.s32 s10, $0x1;
	s10 =	sld [smem:$0x3FA9];
	_ =	sdelay $0x3  }
0x34: {  	[smem:$0x3FA9] =	sst s10  }
0x35: {  	s10 =	sld [smem:$0x3FA8];
	_ =	sdelay $0x3  }
0x36: {  	p1 =	seq.s32 s10, $0x1;
	s10 =	sld [smem:$0x3FA9];
	_ =	sdelay $0x3  }
0x37: {  	[smem:$0x3FA9] =	sst s10  }
0x38: {  	s10 =	sld [smem:$0x3FAA]  }
0x39: {  	_ = 	snop;
	(pc) =	sbr.ind lr, $3  }
0x3a: {  	_ = 	snop  }
0x3b: {  	_ = 	snop  }
0x3c: {  	p2 =	seq.s32 s10, $0x1;
	s10 =	sld [smem:$0x3FA9]  }
0x3d: {  	_ =	shalt  }
0x3e: {  	_ =	shalt  }
0x3f: {  	_ =	shalt  }
0x40: {  	_ =	shalt  }
0x41: {  	_ =	shalt  }
0x42: {  	_ =	shalt  }
0x43: {  	_ =	shalt  }
0x44: {  	_ =	shalt  }
0x45: {  	_ =	shalt  }
0x46: {  	_ =	shalt  }
0x47: {  	_ =	shalt  }
0x48: {  	_ =	shalt  }
0x49: {  	_ =	shalt  }
0x4a: {  	_ =	shalt  }
0x4b: {  	_ =	shalt  }
0x4c: {  	_ =	shalt  }
0x4d: {  	_ =	shalt  }
0x4e: {  	_ =	shalt  }
0x4f: {  	_ =	shalt  }
0x50: {  	_ =	shalt  }
0x51: {  	_ =	shalt  }
0x52: {  	_ =	shalt  }
0x53: {  	_ =	shalt  }
0x54: {  	_ =	shalt  }
0x55: {  	_ =	shalt  }
0x56: {  	_ =	shalt  }
0x57: {  	_ =	shalt  }
0x58: {  	_ =	shalt  }
0x59: {  	_ =	shalt  }
0x5a: {  	_ =	shalt  }
0x5b: {  	_ =	shalt  }
0x5c: {  	_ =	shalt  }
0x5d: {  	_ =	shalt  }
0x5e: {  	_ =	shalt  }
0x5f: {  	_ =	shalt  }
0x60: {  	_ =	shalt  }
0x61: {  	_ =	shalt  }
0x62: {  	_ =	shalt  }
0x63: {  	_ =	shalt  }
0x64: {  	_ =	shalt  }
0x65: {  	_ =	shalt  }
0x66: {  	_ =	shalt  }
0x67: {  	_ =	shalt  }
0x68: {  	_ =	shalt  }
0x69: {  	_ =	shalt  }
0x6a: {  	_ =	shalt  }
0x6b: {  	_ =	shalt  }
0x6c: {  	_ =	shalt  }
0x6d: {  	_ =	shalt  }
0x6e: {  	_ =	shalt  }
0x6f: {  	_ =	shalt  }
0x70: {  	_ =	shalt  }
0x71: {  	_ =	shalt  }
0x72: {  	_ =	shalt  }
0x73: {  	_ =	shalt  }
0x74: {  	_ =	shalt  }
0x75: {  	_ =	shalt  }
0x76: {  	_ =	shalt  }
0x77: {  	_ =	shalt  }
0x78: {  	_ =	shalt  }
0x79: {  	_ =	shalt  }
0x7a: {  	_ =	shalt  }
0x7b: {  	_ =	shalt  }
0x7c: {  	_ =	shalt  }
0x7d: {  	_ =	shalt  }
0x7e: {  	_ =	shalt  }
0x7f: {  	_ =	shalt  }
0x80: {  	_ =	shalt  }
0x81: {  	_ =	shalt  }
0x82: {  	_ =	shalt  }
0x83: {  	_ =	shalt  }
0x84: {  	_ =	shalt  }
0x85: {  	_ =	shalt  }
0x86: {  	_ =	shalt  }
0x87: {  	_ =	shalt  }
.Lfunc_end0:
.L_simem_size_0:
called_computation.1_lowered:
.L_overlay_start_0:
0x88: {  	s2 =	sld [smem:$0x3FD9]  }
0x89: {  	s3 =	sld [smem:$0x3FFE];
	_ =	sdelay $0x1  }
0x8a: {  	s1 =	srdreg.scid  }
0x8b: {  	s0 =	sand.u32 $0x1, s1  }
0x8c: {  	s16 =	sshll.u32 s0, $0xA;
	s2 =	sadd.s32 s3, s2  }
0x8d: {  	s2 =	sadd.s32 s2, s16  }
0x8e: {  	[smem:$0x3FB5] =	sst s2  }
0x8f: {  	_ = 	snop  }
0x90: {  	(tm) =	ssettm $0x1  }
0x91: {  	s17 =	sld [smem:$0x3FFB];
	_ =	sdelay $0x3  }
0x92: {  	_ =	strace s17  }
0x93: {  	s2 =	sld [smem:$0x3FFC];
	_ =	sdelay $0x3  }
0x94: {  	_ =	strace s2  }
0x95: {  	s2 =	sld [smem:$0x3FFD];
	_ =	sdelay $0x3  }
0x96: {  	_ =	strace s2  }
0x97: {  	_ =	strace $0x8FFFFFFF  }
0x98: {  	s18 =	sld [smem:$0x3FDB];
	_ =	sdelay $0x1  }
0x99: {  	s19 =	simm.s32 $_scs_section_size  }
0x9a: {  	s4 =	simm.s32 $_size__tile_overlayer_lowered;
	s5 =	simm.s32 $_tile_overlayer_lowered  }
0x9b: {  	s22 =	simm.s32 $0x1BFF;
	s21 =	sshll.u32 s5, $0x1;
	s2 =	sadd.s32 s19, s18  }
0x9c: {  	s6 =	simm.s32 $0x0;
	s20 =	sshll.u32 s4, $0x1;
	s4 =	sadd.s32 s21, s2  }
0x9d: {  	[timem:s6], [sflag:s22] =	dma.local [hbm:s4], s20  }
0x9e: {  	_ =	swait.ge [sflag:s22], s20  }
0x9f: {  	s3 =	ssub.s32 $0x0, s20;
	[sflag:s22] =	ssyncset.done $0x0  }
0xa0: {  	[sflag:s22] =	ssyncadd.s32 s3;
	_ =	sdelay $0x1  }
0xa1: {  	s23 =	simm.s32 $0x1B8B  }
0xa2: {  	_ =	swait.ge [sflag:s23], $0x1  }
0xa3: {  	[sflag:s23] =	ssyncset.done $0x0  }
0xa4: {  	s25 =	simm.s32 $0x1B8E;
	s24 =	sld [smem:$0x3FFE];
	[sflag:s23] =	ssyncadd.s32 $0xFFFFFFFF  }
0xa5: {  	s26 =	simm.s32 $execute0_lowered;
	[smem:$0x3FD2] =	sst s25  }
0xa6: {  	s4 =	sshll.u32 s26, $0x1;
	_ =	strace $0x80000049;
	[dreg:$0x1] =	wrdreg $0xFFFFFFFF  }
0xa7: {  	s28 =	simm.s32 $_size_execute0_lowered;
	s2 =	sadd.s32 s2, s4;
	[dreg:$0x0] =	wrdreg $0x0  }
0xa8: {  	s4 =	sshll.u32 s28, $0x1;
	[dreg:$0x2] =	wrdreg s2  }
0xa9: {  	[dreg:$0x3] =	wrdreg s4  }
0xaa: {  	[dreg:$0x4] =	wrdreg $0xC0  }
0xab: {  	_ =	task [dreg:s6], $0x5FFFF  }
0xac: {  	[dreg:$0x1] =	wrdreg $0xFFFFFFFF  }
0xad: {  	[dreg:$0x0] =	wrdreg $0x60  }
0xae: {  	[dreg:$0x2] =	wrdreg s24  }
0xaf: {  	[dreg:$0x3] =	wrdreg $0x0  }
0xb0: {  	[dreg:$0x4] =	wrdreg $0x9  }
0xb1: {  	_ =	task.clear_ibuf [dreg:s6], $0x5FFFF;
	_ =	strace $0x90000049  }
0xb2: {  	s29 =	simm.s32 $0x9;
	_ =	strace $0x8000004B  }
0xb3: {  	_ =	swait.ge [sflag:s29], $0x1  }
0xb4: {  	[sflag:s29] =	ssyncadd.s32 $0xFFFFFFFF  }
0xb5: {  	_ =	strace $0x9000004B  }
0xb6: {  	_ =	sfence  }
0xb7: {  	s30 =	sld [smem:$0x0];
	_ =	sdelay $0x2  }
0xb8: {  	s31 =	sshll.u32 s1, $0xD;
	s1 =	sshrl.u32 s1, $0x2  }
0xb9: {  	s3 =	sand.u32 $0x4000, s31;
	s1 =	sadd.s32 s1, s30  }
0xba: {  	s0 =	sor.u32 s3, s0;
	s1 =	sshll.u32 s1, $0x11  }
0xbb: {  	s0 =	sor.u32 s1, s0  }
0xbc: {  	s0 =	sadd.s32 $0x8F2B, s0  }
0xbd: {  	[sflag:s0] =	ssyncadd.remote.s32 $0x1  }
0xbe: {  	_ =	sfence.sel $0xFFFF  }
0xbf: {  	[dreg:$0x0] =	wrdreg $0xFFFFFFFF;
	(pc) =	sbr.abs _section_cstart, $3  }
0xc0: {  	[dreg:$0x1] =	wrdreg $0xFFFFFFFF  }
0xc1: {  	_ =	task.clear_ibuf [dreg:s6], $0x2FFFF;
	_ =	strace $0x9FFFFFFF  }
0xc2: {  	(tm) =	ssettm $0x7FFFFFFF  }
0xc3: {  	_ =	shalt  }
tec
execute0_lowered:
.L_overlay_start_1:
0x0: {  	(tag) =	ssettag $0x1  }
0x1: {  	s0 =	rddreg [dreg:$0x0]  }
0x2: {  	s2 =	rddreg [dreg:$0x1]  }
0x3: {  	s1 =	stileid.u32;
	s4 =	srdreg.scid  }
0x4: {  	s3 =	simm.s32 $0x0;
	s28 =	simm.s32 $0x18100;
	s5 =	smul.u32 $0x9D0, s1  }
0x5: {  	s29 =	simm.s32 $0x1;
	s30 =	simm.s32 $0x0;
	s13 =	smul.u32 $0x14000, s1  }
0x6: {  	s6 =	sand.u32 $0x1, s4;
	[smem:$0x7FF] =	sst s3;
	s21 =	smul.u32 $0x50000, s1  }
0x7: {  	s15 =	sadd.s32 $0xC3600, s0;
	s14 =	smul.u32 $0x140000, s6;
	_ =	strace $0x8000004A  }
0x8: {  	s4 =	ssub.s32 $0x2, s6;
	p0 =	seq.s32 s6, $0x1;
	s17 =	sadd.s32 s5, s0  }
0x9: {  	s7 =	sshrl.u32 s4, $0x1;
	s22 =	sshrl.u32 s21, $0x2;
	s12 =	sadd.s32 $0x4000, s13  }
0xa: {  	s16 =	sadd.s32 $0x8000, s13;
	s19 =	sadd.s32 $0xC000, s13;
	s20 =	sadd.s32 $0x10000, s13  }
0xb: {  	s21 =	simm.s32 $0x18080;
	s8 =	sadd.s32 s14, s13;
	s7 =	ssub.s32 s4, s7  }
0xc: {  	s4 =	sadd.s32 s22, s2;
	s11 =	sadd.s32 s14, s12;
	s18 =	sadd.s32 s14, s16  }
0xd: {  	s22 =	sadd.s32 s12, s2;
	s31 =	sadd.s32 s14, s19;
	s14 =	sadd.s32 s14, s20  }
0xe: {  	s23 =	sshrl.u32 s8, $0x3;
	s25 =	smax.u32 s7, $0x1;
	s7 =	sadd.s32 $0x4000, s4  }
0xf: {  	s8 =	sadd.s32 $0x8000, s4;
	s9 =	sadd.s32 $0xC000, s4;
	s10 =	sadd.s32 $0x10000, s4  }
0x10: {  	s11 =	sshrl.u32 s11, $0x3;
	s26 =	sshrl.u32 s18, $0x3;
	s18 =	sshrl.u32 s31, $0x3  }
0x11: {  	s14 =	sshrl.u32 s14, $0x3;
	s22 =	sshrl.u32 s22, $0x3;
	s24 =	sadd.s32 s15, s23  }
0x12: {  	[dreg:$0x4] =	wrdreg s25;
	s11 =	sadd.s32 s15, s11;
	s12 =	sadd.s32 s15, s26  }
0x13: {  	s23 =	sadd.s32 s16, s2;
	s13 =	sadd.s32 s15, s18;
	s16 =	simm.s32 $0x9B600  }
0x14: {  	s14 =	sadd.s32 s15, s14;
	s25 =	sadd.s32 s20, s2;
	s18 =	simm.s32 $0x14000  }
0x15: {  	s20 =	simm.s32 $0x18000;
	s26 =	simm.s32 $0x80;
	[dreg:$0x3] =	wrdreg s24  }
0x16: {  	s24 =	sadd.s32 s19, s2;
	s16 =	simm.s32 @!p0 $0x73600;
	s19 =	simm.s32 $0x2  }
0x17: {  	s23 =	sshrl.u32 s23, $0x3;
	s25 =	sshrl.u32 s25, $0x3;
	s15 =	sadd.s32 s16, s0  }
0x18: {  	v0 =	vimm.f32 $0.0e+00;
	s16 =	sadd.s32 $0x5FA00, s17;
	s17 =	sadd.s32 $0x69800, s17;
	s24 =	sshrl.u32 s24, $0x3  }
.LBB2_1:
0x19: {  	s31 =	simm.s32 $0x0;
	s0 =	simm.s32 $0x200  }
.LBB2_2:
0x1a: {  	p0 =	sne.s32 s0, $0xFE00;
	[tilespmem:s31+$0x14070] =	vst v0  }
0x1b: {  	[tilespmem:s31+$0x14000] =	vst v0  }
0x1c: {  	[tilespmem:s31+$0x14010] =	vst v0  }
.Ltmp0:
0x1d: {  	[tilespmem:s31+$0x14020] =	vst v0;
	(pc) =	sbr.rel @p0 .LBB2_2-.Ltmp0, $4  }
0x1e: {  	[tilespmem:s31+$0x14030] =	vst v0  }
0x1f: {  	[tilespmem:s31+$0x14040] =	vst v0  }
0x20: {  	[tilespmem:s31+$0x14050] =	vst v0  }
0x21: {  	[tilespmem:s31+$0x14060] =	vst v0;
	s31 =	sshra.s32 s0, $0x2;
	s0 =	sadd.s32 $0x200, s0  }
0x22: {  	[tilespmem:s31+$0x14070] =	vst v0  }
0x23: {  	[tilespmem:s31+$0x14000] =	vst v0  }
0x24: {  	[tilespmem:s31+$0x14010] =	vst v0  }
0x25: {  	[tilespmem:s31+$0x14020] =	vst v0  }
0x26: {  	[tilespmem:s31+$0x14030] =	vst v0  }
0x27: {  	[tilespmem:s31+$0x14040] =	vst v0  }
0x28: {  	[tilespmem:s31+$0x14050] =	vst v0  }
0x29: {  	[tilespmem:s31+$0x14060] =	vst v0  }
0x2a: {  	[spmem:s4] =	stream.linear.scatter [tilespmem:s18], [sflag:$0x2], $0x4000, $0x38;
	[tilespmem:$0x1C100] =	vst v63  }
0x2b: {  	_ =	swait.ge [sflag:s19], $0x4000  }
0x2c: {  	[sflag:s19] =	ssyncset.done $0x0  }
0x2d: {  	[sflag:s19] =	ssyncadd.s32 $0xFFFFC000  }
0x2e: {  	[spmem:s7] =	stream.linear.scatter [tilespmem:s18], [sflag:$0x2], $0x4000, $0x38;
	[tilespmem:$0x1C100] =	vst v63  }
0x2f: {  	_ =	swait.ge [sflag:s19], $0x4000  }
0x30: {  	[sflag:s19] =	ssyncset.done $0x0  }
0x31: {  	[sflag:s19] =	ssyncadd.s32 $0xFFFFC000  }
0x32: {  	[spmem:s8] =	stream.linear.scatter [tilespmem:s18], [sflag:$0x2], $0x4000, $0x38;
	[tilespmem:$0x1C100] =	vst v63  }
0x33: {  	_ =	swait.ge [sflag:s19], $0x4000  }
0x34: {  	[sflag:s19] =	ssyncset.done $0x0  }
0x35: {  	[sflag:s19] =	ssyncadd.s32 $0xFFFFC000  }
0x36: {  	[spmem:s9] =	stream.linear.scatter [tilespmem:s18], [sflag:$0x2], $0x4000, $0x38;
	[tilespmem:$0x1C100] =	vst v63  }
0x37: {  	_ =	swait.ge [sflag:s19], $0x4000  }
0x38: {  	[sflag:s19] =	ssyncset.done $0x0  }
0x39: {  	[sflag:s19] =	ssyncadd.s32 $0xFFFFC000  }
0x3a: {  	[spmem:s10] =	stream.linear.scatter [tilespmem:s18], [sflag:$0x2], $0x4000, $0x38;
	[tilespmem:$0x1C100] =	vst v63  }
0x3b: {  	_ =	swait.ge [sflag:s19], $0x4000  }
0x3c: {  	[sflag:s19] =	ssyncset.done $0x0  }
0x3d: {  	[sflag:s19] =	ssyncadd.s32 $0xFFFFC000  }
0x3e: {  	s0 =	sadd.s32 $0x0, s17;
	[bflag:$0x0] =	sbarrier.arrive $0xFFFF  }
0x3f: {  	[tilespmem:s20], [sflag:$0x2] =	stream.linear.gather [hbm4b:s0+s3], $0x80, $0x38;
	[tilespmem:$0x1C100] =	vst v63  }
0x40: {  	_ =	swait.ge [sflag:s19], $0x80  }
0x41: {  	[sflag:s19] =	ssyncset.done $0x0  }
0x42: {  	s6 =	sadd.s32 $0x0, s16;
	[sflag:s19] =	ssyncadd.s32 $0xFFFFFF80  }
0x43: {  	[tilespmem:s21], [sflag:$0x2] =	stream.linear.gather [hbm4b:s6+s3], $0x80, $0x38;
	[tilespmem:$0x1C100] =	vst v63  }
0x44: {  	_ =	swait.ge [sflag:s19], $0x80  }
0x45: {  	[sflag:s19] =	ssyncset.done $0x0  }
0x46: {  	[sflag:s19] =	ssyncadd.s32 $0xFFFFFF80  }
0x47: {  	[tilespmem:s28], [sflag:$0x1] =	stream.indirect.gather [hbm4b:s15+s26], $0x80, s20, s26, $0xb8;
	[tilespmem:$0x1C100] =	vst v63  }
0x48: {  	_ =	swait.ge [sflag:s29], $0x4000  }
0x49: {  	[sflag:s29] =	ssyncset.done $0x0  }
0x4a: {  	[sflag:s29] =	ssyncadd.s32 $0xFFFFC000  }
0x4b: {  	[spmem:s2] =	stream.indirect.scatter.add.f32 [tilespmem:s28], [sflag:$0x2], $0x80, s21, s26, $0xb8;
	[tilespmem:$0x1C100] =	vst v63  }
0x4c: {  	_ =	swait.ge [sflag:s19], $0x4000  }
0x4d: {  	s31 =	simm.s32 $0x10;
	s0 =	simm.s32 $0x20;
	[sflag:s19] =	ssyncset.done $0x0  }
.LBB2_4:
0x4e: {  	s1 =	sadd.s32 s31, s17  }
0x4f: {  	[sflag:s19] =	ssyncadd.s32 $0xFFFFC000;
	s5 =	smov.u32 s0;
	s6 =	sadd.s32 $0x10, s0  }
0x50: {  	[tilespmem:s20], [sflag:$0x2] =	stream.linear.gather [hbm4b:s1+s3], $0x80, $0x38;
	[tilespmem:$0x1C100] =	vst v63  }
0x51: {  	p0 =	sne.s32 s0, $0x9C0;
	_ =	swait.ge [sflag:s19], $0x80  }
0x52: {  	[sflag:s19] =	ssyncset.done $0x0  }
0x53: {  	s0 =	sadd.s32 s31, s16;
	s31 =	smov.u32 s5;
	[sflag:s19] =	ssyncadd.s32 $0xFFFFFF80  }
0x54: {  	[tilespmem:s21], [sflag:$0x2] =	stream.linear.gather [hbm4b:s0+s3], $0x80, $0x38;
	[tilespmem:$0x1C100] =	vst v63  }
0x55: {  	_ =	swait.ge [sflag:s19], $0x80  }
0x56: {  	[sflag:s19] =	ssyncset.done $0x0  }
0x57: {  	[sflag:s19] =	ssyncadd.s32 $0xFFFFFF80  }
0x58: {  	[tilespmem:s28], [sflag:$0x1] =	stream.indirect.gather [hbm4b:s15+s26], $0x80, s20, s26, $0xb8;
	[tilespmem:$0x1C100] =	vst v63  }
0x59: {  	_ =	swait.ge [sflag:s29], $0x4000  }
.Ltmp1:
0x5a: {  	[sflag:s29] =	ssyncset.done $0x0;
	(pc) =	sbr.rel @p0 .LBB2_4-.Ltmp1, $4  }
0x5b: {  	[sflag:s29] =	ssyncadd.s32 $0xFFFFC000  }
0x5c: {  	[spmem:s2] =	stream.indirect.scatter.add.f32 [tilespmem:s28], [sflag:$0x2], $0x80, s21, s26, $0xb8;
	[tilespmem:$0x1C100] =	vst v63  }
0x5d: {  	_ =	swait.ge [sflag:s19], $0x4000  }
0x5e: {  	s0 =	smov.u32 s6;
	[sflag:s19] =	ssyncset.done $0x0  }
0x5f: {  	s0 =	sadd.s32 s31, s17;
	[sflag:s19] =	ssyncadd.s32 $0xFFFFC000  }
0x60: {  	[tilespmem:s20], [sflag:$0x2] =	stream.linear.gather [hbm4b:s0+s3], $0x80, $0x38;
	[tilespmem:$0x1C100] =	vst v63  }
0x61: {  	_ =	swait.ge [sflag:s19], $0x80  }
0x62: {  	[sflag:s19] =	ssyncset.done $0x0  }
0x63: {  	s5 =	sadd.s32 s31, s16;
	[sflag:s19] =	ssyncadd.s32 $0xFFFFFF80  }
0x64: {  	[tilespmem:s21], [sflag:$0x2] =	stream.linear.gather [hbm4b:s5+s3], $0x80, $0x38;
	[tilespmem:$0x1C100] =	vst v63  }
0x65: {  	_ =	swait.ge [sflag:s19], $0x80  }
0x66: {  	[sflag:s19] =	ssyncset.done $0x0  }
0x67: {  	[sflag:s19] =	ssyncadd.s32 $0xFFFFFF80  }
0x68: {  	[tilespmem:s28], [sflag:$0x1] =	stream.indirect.gather [hbm4b:s15+s26], $0x80, s20, s26, $0xb8;
	[tilespmem:$0x1C100] =	vst v63  }
0x69: {  	_ =	swait.ge [sflag:s29], $0x4000  }
0x6a: {  	[sflag:s29] =	ssyncset.done $0x0  }
0x6b: {  	[sflag:s29] =	ssyncadd.s32 $0xFFFFC000  }
0x6c: {  	[spmem:s2] =	stream.indirect.scatter.add.f32 [tilespmem:s28], [sflag:$0x2], $0x80, s21, s26, $0xb8;
	[tilespmem:$0x1C100] =	vst v63  }
0x6d: {  	_ =	swait.ge [sflag:s19], $0x4000  }
0x6e: {  	[sflag:s19] =	ssyncset.done $0x0  }
0x6f: {  	s6 =	stileid.u32;
	[sflag:s19] =	ssyncadd.s32 $0xFFFFC000  }
0x70: {  	s0 =	sshll.u32 s6, $0x6;
	[bflag:$0x0] =	sbarrier.arrive $0xFFFF  }
0x71: {  	s1 =	sshrl.u32 s4, $0x3;
	s0 =	sor.u32 $0x1C02, s0;
	s5 =	rddreg [dreg:$0x3]  }
0x72: {  	[hbm:s5], [sflag:s0] =	dma.local [spmem:s1], $0x800  }
0x73: {  	_ =	swait.ge [sflag:s19], $0x800  }
0x74: {  	[sflag:s19] =	ssyncset.done $0x0  }
0x75: {  	[sflag:s19] =	ssyncadd.s32 $0xFFFFF800  }
0x76: {  	[hbm:s11], [sflag:s0] =	dma.local [spmem:s22], $0x800  }
0x77: {  	_ =	swait.ge [sflag:s19], $0x800  }
0x78: {  	[sflag:s19] =	ssyncset.done $0x0  }
0x79: {  	[sflag:s19] =	ssyncadd.s32 $0xFFFFF800  }
0x7a: {  	[hbm:s12], [sflag:s0] =	dma.local [spmem:s23], $0x800  }
0x7b: {  	_ =	swait.ge [sflag:s19], $0x800  }
0x7c: {  	[sflag:s19] =	ssyncset.done $0x0  }
0x7d: {  	[sflag:s19] =	ssyncadd.s32 $0xFFFFF800  }
0x7e: {  	[hbm:s13], [sflag:s0] =	dma.local [spmem:s24], $0x800  }
0x7f: {  	_ =	swait.ge [sflag:s19], $0x800  }
0x80: {  	[sflag:s19] =	ssyncset.done $0x0  }
0x81: {  	[sflag:s19] =	ssyncadd.s32 $0xFFFFF800  }
0x82: {  	[hbm:s14], [sflag:s0] =	dma.local [spmem:s25], $0x800  }
0x83: {  	_ =	swait.ge [sflag:s19], $0x800  }
0x84: {  	s30 =	sadd.s32 $0x1, s30;
	s31 =	rddreg [dreg:$0x4]  }
0x85: {  	p0 =	sne.s32 s30, s31  }
.Ltmp2:
0x86: {  	_ = 	snop;
	(pc) =	sbr.rel @p0 .LBB2_1-.Ltmp2, $3  }
0x87: {  	_ =	sdelay $0x1  }
0x88: {  	[sflag:s19] =	ssyncset.done $0x0  }
0x89: {  	[sflag:s19] =	ssyncadd.s32 $0xFFFFF800  }
0x8a: {  	_ =	sfence.sel $0x180000  }
0x8b: {  	[bflag:$0x0] =	sbarrier.arrive $0xFFFF  }
0x8c: {  	_ =	strace $0x9000004A  }
0x8d: {  	s0 =	stileid.u32;
	[bflag:$0x2] =	sbarrier.arrive $0xFFFF  }
0x8e: {  	p0 =	sne.s32 s0, $0x0;
	s0 =	rddreg [dreg:$0x2]  }
0x8f: {  	s0 =	sadd.s32 @!p0 $0x100000, s0  }
0x90: {  	[sflag:s0] =	ssyncadd.tile.s32 @!p0 $0x1;
	_ =	shalt  }
.Lfunc_end2:
_tile_overlayer_lowered:
.L_overlay_start_2:
0x91: {  	(tag) =	ssettag $0x2  }
0x92: {  	s0 =	rddreg [dreg:$0x0];
	s2 =	stileid.u32  }
0x93: {  	s1 =	rddreg [dreg:$0x1];
	p0 =	sne.s32 s2, $0x0  }
0x94: {  	s3 =	rddreg [dreg:$0x2];
	[bflag:$0x3] =	sbarrier.arrive $0xFFFF;
	s2 =	simm.s32 @!p0 $0x1C02  }
0x95: {  	[timem:s3], [sflag:s2] =	dma.local @!p0 [hbm:s0], s1  }
0x96: {  	s0 =	simm.s32 @!p0 $0x2  }
0x97: {  	_ =	swait.ge @!p0 [sflag:s0], s1  }
0x98: {  	s1 =	ssub.s32 @!p0 $0x0, s1;
	[sflag:s0] =	ssyncset.done @!p0 $0x0  }
0x99: {  	[sflag:s0] =	ssyncadd.s32 @!p0 s1  }
0x9a: {  	[bflag:$0x3] =	sbarrier.arrive $0xFFFF  }
0x9b: {  	_ =	shalt  }

// kernel: kernel.14.cloned.1.call-start
scs
__scs_entry_jumppad:
0x0: {  	(pc) =	sbr.rel $0x88, $3  }
0x1: {  	(tag) =	ssettag $0x0;
	lr =	simm.s32 $0x1  }
0x2: {  	[smem:$0x3F8E] =	sst lr;
	_ =	strace $0xD0000000  }
0x3: {  	_ = 	snop  }
0x4: {  	_ = 	snop  }
0x5: {  	_ = 	snop  }
0x6: {  	_ = 	snop  }
0x7: {  	_ = 	snop  }
__scs_overlays_trampoline_lowered:
0x8: {  	[smem:$0x3F9D] =	sst s0  }
0x9: {  	[smem:$0x3F9E] =	sst s1  }
0xa: {  	[smem:$0x3F9F] =	sst s2  }
0xb: {  	[smem:$0x3FA0] =	sst s3  }
0xc: {  	[smem:$0x3FA1] =	sst s4  }
0xd: {  	[smem:$0x3FA2] =	sst s5  }
0xe: {  	[smem:$0x3FA3] =	sst s6  }
0xf: {  	[smem:$0x3FA4] =	sst s7  }
0x10: {  	[smem:$0x3FA5] =	sst s8  }
0x11: {  	[smem:$0x3FA6] =	sst s9;
	s0 =	simm.s32 @!p0 $0x0  }
0x12: {  	s1 =	sld [smem:$0x3F8C];
	s0 =	simm.s32 @p0 $0x1  }
0x13: {  	[smem:$0x3FA7] =	sst s0;
	s0 =	simm.s32 @!p1 $0x0  }
0x14: {  	s2 =	sld [smem:$0x3F8B];
	s0 =	simm.s32 @p1 $0x1  }
0x15: {  	[smem:$0x3FA8] =	sst s0;
	s0 =	simm.s32 @!p2 $0x0  }
0x16: {  	s3 =	sld [smem:$0x3FDB];
	s0 =	simm.s32 @p2 $0x1  }
0x17: {  	s4 =	simm.s32 $0x1BF5;
	[smem:$0x3FAA] =	sst s0  }
0x18: {  	s0 =	sld [smem:$0x3F8D];
	_ =	swait.ge [sflag:s4], $0x0  }
0x19: {  	s7 =	sld [smem:$0x3F8E]  }
0x1a: {  	s8 =	sadd.s32 $0xFFFFE003, lr  }
0x1b: {  	s9 =	sadd.s32 $0xFFFFFEF7, lr;
	s5 =	simm.s32 $0xFFFFFFFF;
	p2 =	slt.u32 s8, $0xFFFFF086  }
0x1c: {  	p1 =	slt.u32 s9, $0xF7A;
	s5 =	simm.s32 @!p2 $0x0  }
0x1d: {  	s5 =	simm.s32 @p1 $0x1;
	p0 =	seq.s32 s7, s2  }
0x1e: {  	s7 =	smul.u32 @!p0 $0xF7A, s2;
	p2 =	seq.s32 @!p0 s5, $0x0  }
0x1f: {  	s9 =	smul.u32 $0xF7A, s1;
	s8 =	simm.s32 @!p0 $0x1BF5;
	p2 =	por !p2, p0  }
0x20: {  	[sflag:s8] =	ssyncset.s32 @!p0 $0xFFFFF086;
	s6 =	sadd.s32 @!p0 s3, s7;
	s7 =	simm.s32 @!p0 $0x108  }
0x21: {  	s3 =	sadd.s32 s3, s9;
	s6 =	sadd.s32 @!p0 $0x88, s6;
	s7 =	simm.s32 @p2 $0x1082  }
0x22: {  	[simem:s7], [sflag:s8] =	dma.local @!p0 [hbm:s6], $0xF7A  }
0x23: {  	s9 =	sor.u32 $0xD0000000, s2;
	s6 =	simm.s32 $0x108;
	_ =	swait.ge @!p0 [sflag:s8], $0x0  }
0x24: {  	s3 =	sadd.s32 $0x88, s3;
	s6 =	simm.s32 @!p1 $0x1082;
	[sflag:s4] =	ssyncset.s32 $0xFFFFF086  }
0x25: {  	[simem:s6], [sflag:s4] =	dma.local [hbm:s3], $0xF7A  }
0x26: {  	[smem:$0x3F8E] =	sst s1;
	(tag) =	ssettag s2;
	_ =	strace s9  }
0x27: {  	s1 =	sld [smem:$0x3F9E]  }
0x28: {  	s2 =	sld [smem:$0x3F9F]  }
0x29: {  	s4 =	sld [smem:$0x3FA1]  }
0x2a: {  	p0 =	seq.s32 s5, $0x0;
	s5 =	sld [smem:$0x3FA2]  }
0x2b: {  	s6 =	sld [smem:$0x3FA3]  }
0x2c: {  	s7 =	sld [smem:$0x3FA4]  }
0x2d: {  	s3 =	simm.s32 $0x108;
	s8 =	sld [smem:$0x3FA5]  }
0x2e: {  	s3 =	simm.s32 @!p0 $0x1082;
	s9 =	sld [smem:$0x3FA6]  }
0x2f: {  	lr =	sadd.s32 s0, s3;
	s0 =	sld [smem:$0x3F9D]  }
0x30: {  	s3 =	sld [smem:$0x3FA0]  }
0x31: {  	[smem:$0x3FA9] =	sst s10  }
0x32: {  	s10 =	sld [smem:$0x3FA7];
	_ =	sdelay $0x3  }
0x33: {  	p0 =	seq.s32 s10, $0x1;
	s10 =	sld [smem:$0x3FA9];
	_ =	sdelay $0x3  }
0x34: {  	[smem:$0x3FA9] =	sst s10  }
0x35: {  	s10 =	sld [smem:$0x3FA8];
	_ =	sdelay $0x3  }
0x36: {  	p1 =	seq.s32 s10, $0x1;
	s10 =	sld [smem:$0x3FA9];
	_ =	sdelay $0x3  }
0x37: {  	[smem:$0x3FA9] =	sst s10  }
0x38: {  	s10 =	sld [smem:$0x3FAA]  }
0x39: {  	_ = 	snop;
	(pc) =	sbr.ind lr, $3  }
0x3a: {  	_ = 	snop  }
0x3b: {  	_ = 	snop  }
0x3c: {  	p2 =	seq.s32 s10, $0x1;
	s10 =	sld [smem:$0x3FA9]  }
0x3d: {  	_ =	shalt  }
0x3e: {  	_ =	shalt  }
0x3f: {  	_ =	shalt  }
0x40: {  	_ =	shalt  }
0x41: {  	_ =	shalt  }
0x42: {  	_ =	shalt  }
0x43: {  	_ =	shalt  }
0x44: {  	_ =	shalt  }
0x45: {  	_ =	shalt  }
0x46: {  	_ =	shalt  }
0x47: {  	_ =	shalt  }
0x48: {  	_ =	shalt  }
0x49: {  	_ =	shalt  }
0x4a: {  	_ =	shalt  }
0x4b: {  	_ =	shalt  }
0x4c: {  	_ =	shalt  }
0x4d: {  	_ =	shalt  }
0x4e: {  	_ =	shalt  }
0x4f: {  	_ =	shalt  }
0x50: {  	_ =	shalt  }
0x51: {  	_ =	shalt  }
0x52: {  	_ =	shalt  }
0x53: {  	_ =	shalt  }
0x54: {  	_ =	shalt  }
0x55: {  	_ =	shalt  }
0x56: {  	_ =	shalt  }
0x57: {  	_ =	shalt  }
0x58: {  	_ =	shalt  }
0x59: {  	_ =	shalt  }
0x5a: {  	_ =	shalt  }
0x5b: {  	_ =	shalt  }
0x5c: {  	_ =	shalt  }
0x5d: {  	_ =	shalt  }
0x5e: {  	_ =	shalt  }
0x5f: {  	_ =	shalt  }
0x60: {  	_ =	shalt  }
0x61: {  	_ =	shalt  }
0x62: {  	_ =	shalt  }
0x63: {  	_ =	shalt  }
0x64: {  	_ =	shalt  }
0x65: {  	_ =	shalt  }
0x66: {  	_ =	shalt  }
0x67: {  	_ =	shalt  }
0x68: {  	_ =	shalt  }
0x69: {  	_ =	shalt  }
0x6a: {  	_ =	shalt  }
0x6b: {  	_ =	shalt  }
0x6c: {  	_ =	shalt  }
0x6d: {  	_ =	shalt  }
0x6e: {  	_ =	shalt  }
0x6f: {  	_ =	shalt  }
0x70: {  	_ =	shalt  }
0x71: {  	_ =	shalt  }
0x72: {  	_ =	shalt  }
0x73: {  	_ =	shalt  }
0x74: {  	_ =	shalt  }
0x75: {  	_ =	shalt  }
0x76: {  	_ =	shalt  }
0x77: {  	_ =	shalt  }
0x78: {  	_ =	shalt  }
0x79: {  	_ =	shalt  }
0x7a: {  	_ =	shalt  }
0x7b: {  	_ =	shalt  }
0x7c: {  	_ =	shalt  }
0x7d: {  	_ =	shalt  }
0x7e: {  	_ =	shalt  }
0x7f: {  	_ =	shalt  }
0x80: {  	_ =	shalt  }
0x81: {  	_ =	shalt  }
0x82: {  	_ =	shalt  }
0x83: {  	_ =	shalt  }
0x84: {  	_ =	shalt  }
0x85: {  	_ =	shalt  }
0x86: {  	_ =	shalt  }
0x87: {  	_ =	shalt  }
.Lfunc_end0:
.L_simem_size_0:
called_computation.2_lowered:
.L_overlay_start_0:
0x88: {  	s2 =	sld [smem:$0x3FD9]  }
0x89: {  	s3 =	sld [smem:$0x3FFE];
	_ =	sdelay $0x1  }
0x8a: {  	s1 =	srdreg.scid  }
0x8b: {  	s0 =	sand.u32 $0x1, s1  }
0x8c: {  	s16 =	sshll.u32 s0, $0xA;
	s2 =	sadd.s32 s3, s2  }
0x8d: {  	s2 =	sadd.s32 s2, s16  }
0x8e: {  	[smem:$0x3FB5] =	sst s2  }
0x8f: {  	_ = 	snop  }
0x90: {  	(tm) =	ssettm $0x1  }
0x91: {  	s17 =	sld [smem:$0x3FFB];
	_ =	sdelay $0x3  }
0x92: {  	_ =	strace s17  }
0x93: {  	s2 =	sld [smem:$0x3FFC];
	_ =	sdelay $0x3  }
0x94: {  	_ =	strace s2  }
0x95: {  	s2 =	sld [smem:$0x3FFD];
	_ =	sdelay $0x3  }
0x96: {  	_ =	strace s2  }
0x97: {  	_ =	strace $0x8FFFFFFF  }
0x98: {  	s18 =	sld [smem:$0x3FDB];
	_ =	sdelay $0x1  }
0x99: {  	s19 =	simm.s32 $_scs_section_size  }
0x9a: {  	s4 =	simm.s32 $_size__tile_overlayer_lowered;
	s5 =	simm.s32 $_tile_overlayer_lowered  }
0x9b: {  	s22 =	simm.s32 $0x1BFF;
	s21 =	sshll.u32 s5, $0x1;
	s2 =	sadd.s32 s19, s18  }
0x9c: {  	s6 =	simm.s32 $0x0;
	s20 =	sshll.u32 s4, $0x1;
	s4 =	sadd.s32 s21, s2  }
0x9d: {  	[timem:s6], [sflag:s22] =	dma.local [hbm:s4], s20  }
0x9e: {  	_ =	swait.ge [sflag:s22], s20  }
0x9f: {  	s3 =	ssub.s32 $0x0, s20;
	[sflag:s22] =	ssyncset.done $0x0  }
0xa0: {  	[sflag:s22] =	ssyncadd.s32 s3;
	_ =	sdelay $0x1  }
0xa1: {  	s23 =	simm.s32 $0x1B8B  }
0xa2: {  	_ =	swait.ge [sflag:s23], $0x1  }
0xa3: {  	[sflag:s23] =	ssyncset.done $0x0  }
0xa4: {  	s25 =	simm.s32 $0x1B8E;
	s24 =	sld [smem:$0x3FFE];
	[sflag:s23] =	ssyncadd.s32 $0xFFFFFFFF  }
0xa5: {  	s26 =	simm.s32 $execute0_lowered;
	[smem:$0x3FD2] =	sst s25  }
0xa6: {  	s4 =	sshll.u32 s26, $0x1;
	_ =	strace $0x8000004C;
	[dreg:$0x1] =	wrdreg $0xFFFFFFFF  }
0xa7: {  	s28 =	simm.s32 $_size_execute0_lowered;
	s2 =	sadd.s32 s2, s4;
	[dreg:$0x0] =	wrdreg $0x0  }
0xa8: {  	s4 =	sshll.u32 s28, $0x1;
	[dreg:$0x2] =	wrdreg s2  }
0xa9: {  	[dreg:$0x3] =	wrdreg s4  }
0xaa: {  	[dreg:$0x4] =	wrdreg $0xC0  }
0xab: {  	_ =	task [dreg:s6], $0x5FFFF  }
0xac: {  	[dreg:$0x1] =	wrdreg $0xFFFFFFFF  }
0xad: {  	[dreg:$0x0] =	wrdreg $0x60  }
0xae: {  	[dreg:$0x2] =	wrdreg s24  }
0xaf: {  	[dreg:$0x3] =	wrdreg $0x0  }
0xb0: {  	[dreg:$0x4] =	wrdreg $0x9  }
0xb1: {  	_ =	task.clear_ibuf [dreg:s6], $0x5FFFF;
	_ =	strace $0x9000004C  }
0xb2: {  	s29 =	simm.s32 $0x9;
	_ =	strace $0x8000004E  }
0xb3: {  	_ =	swait.ge [sflag:s29], $0x1  }
0xb4: {  	[sflag:s29] =	ssyncadd.s32 $0xFFFFFFFF  }
0xb5: {  	_ =	strace $0x9000004E  }
0xb6: {  	_ =	sfence  }
0xb7: {  	s30 =	sld [smem:$0x0];
	_ =	sdelay $0x2  }
0xb8: {  	s31 =	sshll.u32 s1, $0xD;
	s1 =	sshrl.u32 s1, $0x2  }
0xb9: {  	s3 =	sand.u32 $0x4000, s31;
	s1 =	sadd.s32 s1, s30  }
0xba: {  	s0 =	sor.u32 s3, s0;
	s1 =	sshll.u32 s1, $0x11  }
0xbb: {  	s0 =	sor.u32 s1, s0  }
0xbc: {  	s0 =	sadd.s32 $0x8F2B, s0  }
0xbd: {  	[sflag:s0] =	ssyncadd.remote.s32 $0x1  }
0xbe: {  	_ =	sfence.sel $0xFFFF  }
0xbf: {  	[dreg:$0x0] =	wrdreg $0xFFFFFFFF;
	(pc) =	sbr.abs _section_cstart, $3  }
0xc0: {  	[dreg:$0x1] =	wrdreg $0xFFFFFFFF  }
0xc1: {  	_ =	task.clear_ibuf [dreg:s6], $0x2FFFF;
	_ =	strace $0x9FFFFFFF  }
0xc2: {  	(tm) =	ssettm $0x7FFFFFFF  }
0xc3: {  	_ =	shalt  }
tec
execute0_lowered:
.L_overlay_start_1:
0x0: {  	(tag) =	ssettag $0x1  }
0x1: {  	s0 =	rddreg [dreg:$0x0]  }
0x2: {  	s2 =	rddreg [dreg:$0x1]  }
0x3: {  	s1 =	stileid.u32;
	s4 =	srdreg.scid  }
0x4: {  	s3 =	simm.s32 $0x0;
	s28 =	simm.s32 $0x18100;
	s5 =	smul.u32 $0x9D0, s1  }
0x5: {  	s29 =	simm.s32 $0x1;
	s30 =	simm.s32 $0x0;
	s13 =	smul.u32 $0x14000, s1  }
0x6: {  	s6 =	sand.u32 $0x1, s4;
	[smem:$0x7FF] =	sst s3;
	s21 =	smul.u32 $0x50000, s1  }
0x7: {  	s15 =	sadd.s32 $0xC3600, s0;
	s14 =	smul.u32 $0x140000, s6;
	_ =	strace $0x8000004D  }
0x8: {  	s4 =	ssub.s32 $0x2, s6;
	p0 =	seq.s32 s6, $0x1;
	s17 =	sadd.s32 s5, s0  }
0x9: {  	s7 =	sshrl.u32 s4, $0x1;
	s22 =	sshrl.u32 s21, $0x2;
	s12 =	sadd.s32 $0x4000, s13  }
0xa: {  	s16 =	sadd.s32 $0x8000, s13;
	s19 =	sadd.s32 $0xC000, s13;
	s20 =	sadd.s32 $0x10000, s13  }
0xb: {  	s21 =	simm.s32 $0x18080;
	s8 =	sadd.s32 s14, s13;
	s7 =	ssub.s32 s4, s7  }
0xc: {  	s4 =	sadd.s32 s22, s2;
	s11 =	sadd.s32 s14, s12;
	s18 =	sadd.s32 s14, s16  }
0xd: {  	s22 =	sadd.s32 s12, s2;
	s31 =	sadd.s32 s14, s19;
	s14 =	sadd.s32 s14, s20  }
0xe: {  	s23 =	sshrl.u32 s8, $0x3;
	s25 =	smax.u32 s7, $0x1;
	s7 =	sadd.s32 $0x4000, s4  }
0xf: {  	s8 =	sadd.s32 $0x8000, s4;
	s9 =	sadd.s32 $0xC000, s4;
	s10 =	sadd.s32 $0x10000, s4  }
0x10: {  	s11 =	sshrl.u32 s11, $0x3;
	s26 =	sshrl.u32 s18, $0x3;
	s18 =	sshrl.u32 s31, $0x3  }
0x11: {  	s14 =	sshrl.u32 s14, $0x3;
	s22 =	sshrl.u32 s22, $0x3;
	s24 =	sadd.s32 s15, s23  }
0x12: {  	[dreg:$0x4] =	wrdreg s25;
	s11 =	sadd.s32 s15, s11;
	s12 =	sadd.s32 s15, s26  }
0x13: {  	s23 =	sadd.s32 s16, s2;
	s13 =	sadd.s32 s15, s18;
	s16 =	simm.s32 $0x9B600  }
0x14: {  	s14 =	sadd.s32 s15, s14;
	s25 =	sadd.s32 s20, s2;
	s18 =	simm.s32 $0x14000  }
0x15: {  	s20 =	simm.s32 $0x18000;
	s26 =	simm.s32 $0x80;
	[dreg:$0x3] =	wrdreg s24  }
0x16: {  	s24 =	sadd.s32 s19, s2;
	s16 =	simm.s32 @!p0 $0x73600;
	s19 =	simm.s32 $0x2  }
0x17: {  	s23 =	sshrl.u32 s23, $0x3;
	s25 =	sshrl.u32 s25, $0x3;
	s15 =	sadd.s32 s16, s0  }
0x18: {  	v0 =	vimm.f32 $0.0e+00;
	s16 =	sadd.s32 $0x5FA00, s17;
	s17 =	sadd.s32 $0x69800, s17;
	s24 =	sshrl.u32 s24, $0x3  }
.LBB2_1:
0x19: {  	s31 =	simm.s32 $0x0;
	s0 =	simm.s32 $0x200  }
.LBB2_2:
0x1a: {  	p0 =	sne.s32 s0, $0xFE00;
	[tilespmem:s31+$0x14070] =	vst v0  }
0x1b: {  	[tilespmem:s31+$0x14000] =	vst v0  }
0x1c: {  	[tilespmem:s31+$0x14010] =	vst v0  }
.Ltmp0:
0x1d: {  	[tilespmem:s31+$0x14020] =	vst v0;
	(pc) =	sbr.rel @p0 .LBB2_2-.Ltmp0, $4  }
0x1e: {  	[tilespmem:s31+$0x14030] =	vst v0  }
0x1f: {  	[tilespmem:s31+$0x14040] =	vst v0  }
0x20: {  	[tilespmem:s31+$0x14050] =	vst v0  }
0x21: {  	[tilespmem:s31+$0x14060] =	vst v0;
	s31 =	sshra.s32 s0, $0x2;
	s0 =	sadd.s32 $0x200, s0  }
0x22: {  	[tilespmem:s31+$0x14070] =	vst v0  }
0x23: {  	[tilespmem:s31+$0x14000] =	vst v0  }
0x24: {  	[tilespmem:s31+$0x14010] =	vst v0  }
0x25: {  	[tilespmem:s31+$0x14020] =	vst v0  }
0x26: {  	[tilespmem:s31+$0x14030] =	vst v0  }
0x27: {  	[tilespmem:s31+$0x14040] =	vst v0  }
0x28: {  	[tilespmem:s31+$0x14050] =	vst v0  }
0x29: {  	[tilespmem:s31+$0x14060] =	vst v0  }
0x2a: {  	[spmem:s4] =	stream.linear.scatter [tilespmem:s18], [sflag:$0x2], $0x4000, $0x38;
	[tilespmem:$0x1C100] =	vst v63  }
0x2b: {  	_ =	swait.ge [sflag:s19], $0x4000  }
0x2c: {  	[sflag:s19] =	ssyncset.done $0x0  }
0x2d: {  	[sflag:s19] =	ssyncadd.s32 $0xFFFFC000  }
0x2e: {  	[spmem:s7] =	stream.linear.scatter [tilespmem:s18], [sflag:$0x2], $0x4000, $0x38;
	[tilespmem:$0x1C100] =	vst v63  }
0x2f: {  	_ =	swait.ge [sflag:s19], $0x4000  }
0x30: {  	[sflag:s19] =	ssyncset.done $0x0  }
0x31: {  	[sflag:s19] =	ssyncadd.s32 $0xFFFFC000  }
0x32: {  	[spmem:s8] =	stream.linear.scatter [tilespmem:s18], [sflag:$0x2], $0x4000, $0x38;
	[tilespmem:$0x1C100] =	vst v63  }
0x33: {  	_ =	swait.ge [sflag:s19], $0x4000  }
0x34: {  	[sflag:s19] =	ssyncset.done $0x0  }
0x35: {  	[sflag:s19] =	ssyncadd.s32 $0xFFFFC000  }
0x36: {  	[spmem:s9] =	stream.linear.scatter [tilespmem:s18], [sflag:$0x2], $0x4000, $0x38;
	[tilespmem:$0x1C100] =	vst v63  }
0x37: {  	_ =	swait.ge [sflag:s19], $0x4000  }
0x38: {  	[sflag:s19] =	ssyncset.done $0x0  }
0x39: {  	[sflag:s19] =	ssyncadd.s32 $0xFFFFC000  }
0x3a: {  	[spmem:s10] =	stream.linear.scatter [tilespmem:s18], [sflag:$0x2], $0x4000, $0x38;
	[tilespmem:$0x1C100] =	vst v63  }
0x3b: {  	_ =	swait.ge [sflag:s19], $0x4000  }
0x3c: {  	[sflag:s19] =	ssyncset.done $0x0  }
0x3d: {  	[sflag:s19] =	ssyncadd.s32 $0xFFFFC000  }
0x3e: {  	s0 =	sadd.s32 $0x0, s17;
	[bflag:$0x0] =	sbarrier.arrive $0xFFFF  }
0x3f: {  	[tilespmem:s20], [sflag:$0x2] =	stream.linear.gather [hbm4b:s0+s3], $0x80, $0x38;
	[tilespmem:$0x1C100] =	vst v63  }
0x40: {  	_ =	swait.ge [sflag:s19], $0x80  }
0x41: {  	[sflag:s19] =	ssyncset.done $0x0  }
0x42: {  	s6 =	sadd.s32 $0x0, s16;
	[sflag:s19] =	ssyncadd.s32 $0xFFFFFF80  }
0x43: {  	[tilespmem:s21], [sflag:$0x2] =	stream.linear.gather [hbm4b:s6+s3], $0x80, $0x38;
	[tilespmem:$0x1C100] =	vst v63  }
0x44: {  	_ =	swait.ge [sflag:s19], $0x80  }
0x45: {  	[sflag:s19] =	ssyncset.done $0x0  }
0x46: {  	[sflag:s19] =	ssyncadd.s32 $0xFFFFFF80  }
0x47: {  	[tilespmem:s28], [sflag:$0x1] =	stream.indirect.gather [hbm4b:s15+s26], $0x80, s20, s26, $0xb8;
	[tilespmem:$0x1C100] =	vst v63  }
0x48: {  	_ =	swait.ge [sflag:s29], $0x4000  }
0x49: {  	[sflag:s29] =	ssyncset.done $0x0  }
0x4a: {  	[sflag:s29] =	ssyncadd.s32 $0xFFFFC000  }
0x4b: {  	[spmem:s2] =	stream.indirect.scatter.add.f32 [tilespmem:s28], [sflag:$0x2], $0x80, s21, s26, $0xb8;
	[tilespmem:$0x1C100] =	vst v63  }
0x4c: {  	_ =	swait.ge [sflag:s19], $0x4000  }
0x4d: {  	s31 =	simm.s32 $0x10;
	s0 =	simm.s32 $0x20;
	[sflag:s19] =	ssyncset.done $0x0  }
.LBB2_4:
0x4e: {  	s1 =	sadd.s32 s31, s17  }
0x4f: {  	[sflag:s19] =	ssyncadd.s32 $0xFFFFC000;
	s5 =	smov.u32 s0;
	s6 =	sadd.s32 $0x10, s0  }
0x50: {  	[tilespmem:s20], [sflag:$0x2] =	stream.linear.gather [hbm4b:s1+s3], $0x80, $0x38;
	[tilespmem:$0x1C100] =	vst v63  }
0x51: {  	p0 =	sne.s32 s0, $0x9C0;
	_ =	swait.ge [sflag:s19], $0x80  }
0x52: {  	[sflag:s19] =	ssyncset.done $0x0  }
0x53: {  	s0 =	sadd.s32 s31, s16;
	s31 =	smov.u32 s5;
	[sflag:s19] =	ssyncadd.s32 $0xFFFFFF80  }
0x54: {  	[tilespmem:s21], [sflag:$0x2] =	stream.linear.gather [hbm4b:s0+s3], $0x80, $0x38;
	[tilespmem:$0x1C100] =	vst v63  }
0x55: {  	_ =	swait.ge [sflag:s19], $0x80  }
0x56: {  	[sflag:s19] =	ssyncset.done $0x0  }
0x57: {  	[sflag:s19] =	ssyncadd.s32 $0xFFFFFF80  }
0x58: {  	[tilespmem:s28], [sflag:$0x1] =	stream.indirect.gather [hbm4b:s15+s26], $0x80, s20, s26, $0xb8;
	[tilespmem:$0x1C100] =	vst v63  }
0x59: {  	_ =	swait.ge [sflag:s29], $0x4000  }
.Ltmp1:
0x5a: {  	[sflag:s29] =	ssyncset.done $0x0;
	(pc) =	sbr.rel @p0 .LBB2_4-.Ltmp1, $4  }
0x5b: {  	[sflag:s29] =	ssyncadd.s32 $0xFFFFC000  }
0x5c: {  	[spmem:s2] =	stream.indirect.scatter.add.f32 [tilespmem:s28], [sflag:$0x2], $0x80, s21, s26, $0xb8;
	[tilespmem:$0x1C100] =	vst v63  }
0x5d: {  	_ =	swait.ge [sflag:s19], $0x4000  }
0x5e: {  	s0 =	smov.u32 s6;
	[sflag:s19] =	ssyncset.done $0x0  }
0x5f: {  	s0 =	sadd.s32 s31, s17;
	[sflag:s19] =	ssyncadd.s32 $0xFFFFC000  }
0x60: {  	[tilespmem:s20], [sflag:$0x2] =	stream.linear.gather [hbm4b:s0+s3], $0x80, $0x38;
	[tilespmem:$0x1C100] =	vst v63  }
0x61: {  	_ =	swait.ge [sflag:s19], $0x80  }
0x62: {  	[sflag:s19] =	ssyncset.done $0x0  }
0x63: {  	s5 =	sadd.s32 s31, s16;
	[sflag:s19] =	ssyncadd.s32 $0xFFFFFF80  }
0x64: {  	[tilespmem:s21], [sflag:$0x2] =	stream.linear.gather [hbm4b:s5+s3], $0x80, $0x38;
	[tilespmem:$0x1C100] =	vst v63  }
0x65: {  	_ =	swait.ge [sflag:s19], $0x80  }
0x66: {  	[sflag:s19] =	ssyncset.done $0x0  }
0x67: {  	[sflag:s19] =	ssyncadd.s32 $0xFFFFFF80  }
0x68: {  	[tilespmem:s28], [sflag:$0x1] =	stream.indirect.gather [hbm4b:s15+s26], $0x80, s20, s26, $0xb8;
	[tilespmem:$0x1C100] =	vst v63  }
0x69: {  	_ =	swait.ge [sflag:s29], $0x4000  }
0x6a: {  	[sflag:s29] =	ssyncset.done $0x0  }
0x6b: {  	[sflag:s29] =	ssyncadd.s32 $0xFFFFC000  }
0x6c: {  	[spmem:s2] =	stream.indirect.scatter.add.f32 [tilespmem:s28], [sflag:$0x2], $0x80, s21, s26, $0xb8;
	[tilespmem:$0x1C100] =	vst v63  }
0x6d: {  	_ =	swait.ge [sflag:s19], $0x4000  }
0x6e: {  	[sflag:s19] =	ssyncset.done $0x0  }
0x6f: {  	s6 =	stileid.u32;
	[sflag:s19] =	ssyncadd.s32 $0xFFFFC000  }
0x70: {  	s0 =	sshll.u32 s6, $0x6;
	[bflag:$0x0] =	sbarrier.arrive $0xFFFF  }
0x71: {  	s1 =	sshrl.u32 s4, $0x3;
	s0 =	sor.u32 $0x1C02, s0;
	s5 =	rddreg [dreg:$0x3]  }
0x72: {  	[hbm:s5], [sflag:s0] =	dma.local [spmem:s1], $0x800  }
0x73: {  	_ =	swait.ge [sflag:s19], $0x800  }
0x74: {  	[sflag:s19] =	ssyncset.done $0x0  }
0x75: {  	[sflag:s19] =	ssyncadd.s32 $0xFFFFF800  }
0x76: {  	[hbm:s11], [sflag:s0] =	dma.local [spmem:s22], $0x800  }
0x77: {  	_ =	swait.ge [sflag:s19], $0x800  }
0x78: {  	[sflag:s19] =	ssyncset.done $0x0  }
0x79: {  	[sflag:s19] =	ssyncadd.s32 $0xFFFFF800  }
0x7a: {  	[hbm:s12], [sflag:s0] =	dma.local [spmem:s23], $0x800  }
0x7b: {  	_ =	swait.ge [sflag:s19], $0x800  }
0x7c: {  	[sflag:s19] =	ssyncset.done $0x0  }
0x7d: {  	[sflag:s19] =	ssyncadd.s32 $0xFFFFF800  }
0x7e: {  	[hbm:s13], [sflag:s0] =	dma.local [spmem:s24], $0x800  }
0x7f: {  	_ =	swait.ge [sflag:s19], $0x800  }
0x80: {  	[sflag:s19] =	ssyncset.done $0x0  }
0x81: {  	[sflag:s19] =	ssyncadd.s32 $0xFFFFF800  }
0x82: {  	[hbm:s14], [sflag:s0] =	dma.local [spmem:s25], $0x800  }
0x83: {  	_ =	swait.ge [sflag:s19], $0x800  }
0x84: {  	s30 =	sadd.s32 $0x1, s30;
	s31 =	rddreg [dreg:$0x4]  }
0x85: {  	p0 =	sne.s32 s30, s31  }
.Ltmp2:
0x86: {  	_ = 	snop;
	(pc) =	sbr.rel @p0 .LBB2_1-.Ltmp2, $3  }
0x87: {  	_ =	sdelay $0x1  }
0x88: {  	[sflag:s19] =	ssyncset.done $0x0  }
0x89: {  	[sflag:s19] =	ssyncadd.s32 $0xFFFFF800  }
0x8a: {  	_ =	sfence.sel $0x180000  }
0x8b: {  	[bflag:$0x0] =	sbarrier.arrive $0xFFFF  }
0x8c: {  	_ =	strace $0x9000004D  }
0x8d: {  	s0 =	stileid.u32;
	[bflag:$0x2] =	sbarrier.arrive $0xFFFF  }
0x8e: {  	p0 =	sne.s32 s0, $0x0;
	s0 =	rddreg [dreg:$0x2]  }
0x8f: {  	s0 =	sadd.s32 @!p0 $0x100000, s0  }
0x90: {  	[sflag:s0] =	ssyncadd.tile.s32 @!p0 $0x1;
	_ =	shalt  }
.Lfunc_end2:
_tile_overlayer_lowered:
.L_overlay_start_2:
0x91: {  	(tag) =	ssettag $0x2  }
0x92: {  	s0 =	rddreg [dreg:$0x0];
	s2 =	stileid.u32  }
0x93: {  	s1 =	rddreg [dreg:$0x1];
	p0 =	sne.s32 s2, $0x0  }
0x94: {  	s3 =	rddreg [dreg:$0x2];
	[bflag:$0x3] =	sbarrier.arrive $0xFFFF;
	s2 =	simm.s32 @!p0 $0x1C02  }
0x95: {  	[timem:s3], [sflag:s2] =	dma.local @!p0 [hbm:s0], s1  }
0x96: {  	s0 =	simm.s32 @!p0 $0x2  }
0x97: {  	_ =	swait.ge @!p0 [sflag:s0], s1  }
0x98: {  	s1 =	ssub.s32 @!p0 $0x0, s1;
	[sflag:s0] =	ssyncset.done @!p0 $0x0  }
0x99: {  	[sflag:s0] =	ssyncadd.s32 @!p0 s1  }
0x9a: {  	[bflag:$0x3] =	sbarrier.arrive $0xFFFF  }
0x9b: {  	_ =	shalt  }

// kernel: kernel.8.cloned.1.call-start
scs
__scs_entry_jumppad:
0x0: {  	(pc) =	sbr.rel $0x88, $3  }
0x1: {  	(tag) =	ssettag $0x0;
	lr =	simm.s32 $0x1  }
0x2: {  	[smem:$0x3F8E] =	sst lr;
	_ =	strace $0xD0000000  }
0x3: {  	_ = 	snop  }
0x4: {  	_ = 	snop  }
0x5: {  	_ = 	snop  }
0x6: {  	_ = 	snop  }
0x7: {  	_ = 	snop  }
__scs_overlays_trampoline_lowered:
0x8: {  	[smem:$0x3F9D] =	sst s0  }
0x9: {  	[smem:$0x3F9E] =	sst s1  }
0xa: {  	[smem:$0x3F9F] =	sst s2  }
0xb: {  	[smem:$0x3FA0] =	sst s3  }
0xc: {  	[smem:$0x3FA1] =	sst s4  }
0xd: {  	[smem:$0x3FA2] =	sst s5  }
0xe: {  	[smem:$0x3FA3] =	sst s6  }
0xf: {  	[smem:$0x3FA4] =	sst s7  }
0x10: {  	[smem:$0x3FA5] =	sst s8  }
0x11: {  	[smem:$0x3FA6] =	sst s9;
	s0 =	simm.s32 @!p0 $0x0  }
0x12: {  	s1 =	sld [smem:$0x3F8C];
	s0 =	simm.s32 @p0 $0x1  }
0x13: {  	[smem:$0x3FA7] =	sst s0;
	s0 =	simm.s32 @!p1 $0x0  }
0x14: {  	s2 =	sld [smem:$0x3F8B];
	s0 =	simm.s32 @p1 $0x1  }
0x15: {  	[smem:$0x3FA8] =	sst s0;
	s0 =	simm.s32 @!p2 $0x0  }
0x16: {  	s3 =	sld [smem:$0x3FDB];
	s0 =	simm.s32 @p2 $0x1  }
0x17: {  	s4 =	simm.s32 $0x1BF5;
	[smem:$0x3FAA] =	sst s0  }
0x18: {  	s0 =	sld [smem:$0x3F8D];
	_ =	swait.ge [sflag:s4], $0x0  }
0x19: {  	s7 =	sld [smem:$0x3F8E]  }
0x1a: {  	s8 =	sadd.s32 $0xFFFFE003, lr  }
0x1b: {  	s9 =	sadd.s32 $0xFFFFFEF7, lr;
	s5 =	simm.s32 $0xFFFFFFFF;
	p2 =	slt.u32 s8, $0xFFFFF086  }
0x1c: {  	p1 =	slt.u32 s9, $0xF7A;
	s5 =	simm.s32 @!p2 $0x0  }
0x1d: {  	s5 =	simm.s32 @p1 $0x1;
	p0 =	seq.s32 s7, s2  }
0x1e: {  	s7 =	smul.u32 @!p0 $0xF7A, s2;
	p2 =	seq.s32 @!p0 s5, $0x0  }
0x1f: {  	s9 =	smul.u32 $0xF7A, s1;
	s8 =	simm.s32 @!p0 $0x1BF5;
	p2 =	por !p2, p0  }
0x20: {  	[sflag:s8] =	ssyncset.s32 @!p0 $0xFFFFF086;
	s6 =	sadd.s32 @!p0 s3, s7;
	s7 =	simm.s32 @!p0 $0x108  }
0x21: {  	s3 =	sadd.s32 s3, s9;
	s6 =	sadd.s32 @!p0 $0x88, s6;
	s7 =	simm.s32 @p2 $0x1082  }
0x22: {  	[simem:s7], [sflag:s8] =	dma.local @!p0 [hbm:s6], $0xF7A  }
0x23: {  	s9 =	sor.u32 $0xD0000000, s2;
	s6 =	simm.s32 $0x108;
	_ =	swait.ge @!p0 [sflag:s8], $0x0  }
0x24: {  	s3 =	sadd.s32 $0x88, s3;
	s6 =	simm.s32 @!p1 $0x1082;
	[sflag:s4] =	ssyncset.s32 $0xFFFFF086  }
0x25: {  	[simem:s6], [sflag:s4] =	dma.local [hbm:s3], $0xF7A  }
0x26: {  	[smem:$0x3F8E] =	sst s1;
	(tag) =	ssettag s2;
	_ =	strace s9  }
0x27: {  	s1 =	sld [smem:$0x3F9E]  }
0x28: {  	s2 =	sld [smem:$0x3F9F]  }
0x29: {  	s4 =	sld [smem:$0x3FA1]  }
0x2a: {  	p0 =	seq.s32 s5, $0x0;
	s5 =	sld [smem:$0x3FA2]  }
0x2b: {  	s6 =	sld [smem:$0x3FA3]  }
0x2c: {  	s7 =	sld [smem:$0x3FA4]  }
0x2d: {  	s3 =	simm.s32 $0x108;
	s8 =	sld [smem:$0x3FA5]  }
0x2e: {  	s3 =	simm.s32 @!p0 $0x1082;
	s9 =	sld [smem:$0x3FA6]  }
0x2f: {  	lr =	sadd.s32 s0, s3;
	s0 =	sld [smem:$0x3F9D]  }
0x30: {  	s3 =	sld [smem:$0x3FA0]  }
0x31: {  	[smem:$0x3FA9] =	sst s10  }
0x32: {  	s10 =	sld [smem:$0x3FA7];
	_ =	sdelay $0x3  }
0x33: {  	p0 =	seq.s32 s10, $0x1;
	s10 =	sld [smem:$0x3FA9];
	_ =	sdelay $0x3  }
0x34: {  	[smem:$0x3FA9] =	sst s10  }
0x35: {  	s10 =	sld [smem:$0x3FA8];
	_ =	sdelay $0x3  }
0x36: {  	p1 =	seq.s32 s10, $0x1;
	s10 =	sld [smem:$0x3FA9];
	_ =	sdelay $0x3  }
0x37: {  	[smem:$0x3FA9] =	sst s10  }
0x38: {  	s10 =	sld [smem:$0x3FAA]  }
0x39: {  	_ = 	snop;
	(pc) =	sbr.ind lr, $3  }
0x3a: {  	_ = 	snop  }
0x3b: {  	_ = 	snop  }
0x3c: {  	p2 =	seq.s32 s10, $0x1;
	s10 =	sld [smem:$0x3FA9]  }
0x3d: {  	_ =	shalt  }
0x3e: {  	_ =	shalt  }
0x3f: {  	_ =	shalt  }
0x40: {  	_ =	shalt  }
0x41: {  	_ =	shalt  }
0x42: {  	_ =	shalt  }
0x43: {  	_ =	shalt  }
0x44: {  	_ =	shalt  }
0x45: {  	_ =	shalt  }
0x46: {  	_ =	shalt  }
0x47: {  	_ =	shalt  }
0x48: {  	_ =	shalt  }
0x49: {  	_ =	shalt  }
0x4a: {  	_ =	shalt  }
0x4b: {  	_ =	shalt  }
0x4c: {  	_ =	shalt  }
0x4d: {  	_ =	shalt  }
0x4e: {  	_ =	shalt  }
0x4f: {  	_ =	shalt  }
0x50: {  	_ =	shalt  }
0x51: {  	_ =	shalt  }
0x52: {  	_ =	shalt  }
0x53: {  	_ =	shalt  }
0x54: {  	_ =	shalt  }
0x55: {  	_ =	shalt  }
0x56: {  	_ =	shalt  }
0x57: {  	_ =	shalt  }
0x58: {  	_ =	shalt  }
0x59: {  	_ =	shalt  }
0x5a: {  	_ =	shalt  }
0x5b: {  	_ =	shalt  }
0x5c: {  	_ =	shalt  }
0x5d: {  	_ =	shalt  }
0x5e: {  	_ =	shalt  }
0x5f: {  	_ =	shalt  }
0x60: {  	_ =	shalt  }
0x61: {  	_ =	shalt  }
0x62: {  	_ =	shalt  }
0x63: {  	_ =	shalt  }
0x64: {  	_ =	shalt  }
0x65: {  	_ =	shalt  }
0x66: {  	_ =	shalt  }
0x67: {  	_ =	shalt  }
0x68: {  	_ =	shalt  }
0x69: {  	_ =	shalt  }
0x6a: {  	_ =	shalt  }
0x6b: {  	_ =	shalt  }
0x6c: {  	_ =	shalt  }
0x6d: {  	_ =	shalt  }
0x6e: {  	_ =	shalt  }
0x6f: {  	_ =	shalt  }
0x70: {  	_ =	shalt  }
0x71: {  	_ =	shalt  }
0x72: {  	_ =	shalt  }
0x73: {  	_ =	shalt  }
0x74: {  	_ =	shalt  }
0x75: {  	_ =	shalt  }
0x76: {  	_ =	shalt  }
0x77: {  	_ =	shalt  }
0x78: {  	_ =	shalt  }
0x79: {  	_ =	shalt  }
0x7a: {  	_ =	shalt  }
0x7b: {  	_ =	shalt  }
0x7c: {  	_ =	shalt  }
0x7d: {  	_ =	shalt  }
0x7e: {  	_ =	shalt  }
0x7f: {  	_ =	shalt  }
0x80: {  	_ =	shalt  }
0x81: {  	_ =	shalt  }
0x82: {  	_ =	shalt  }
0x83: {  	_ =	shalt  }
0x84: {  	_ =	shalt  }
0x85: {  	_ =	shalt  }
0x86: {  	_ =	shalt  }
0x87: {  	_ =	shalt  }
.Lfunc_end0:
.L_simem_size_0:
called_computation_lowered:
.L_overlay_start_0:
0x88: {  	s2 =	sld [smem:$0x3FD9]  }
0x89: {  	s3 =	sld [smem:$0x3FFE];
	_ =	sdelay $0x1  }
0x8a: {  	s1 =	srdreg.scid  }
0x8b: {  	s0 =	sand.u32 $0x1, s1  }
0x8c: {  	s16 =	sshll.u32 s0, $0xA;
	s2 =	sadd.s32 s3, s2  }
0x8d: {  	s2 =	sadd.s32 s2, s16  }
0x8e: {  	[smem:$0x3FB5] =	sst s2  }
0x8f: {  	_ = 	snop  }
0x90: {  	(tm) =	ssettm $0x1  }
0x91: {  	s17 =	sld [smem:$0x3FFB];
	_ =	sdelay $0x3  }
0x92: {  	_ =	strace s17  }
0x93: {  	s2 =	sld [smem:$0x3FFC];
	_ =	sdelay $0x3  }
0x94: {  	_ =	strace s2  }
0x95: {  	s2 =	sld [smem:$0x3FFD];
	_ =	sdelay $0x3  }
0x96: {  	_ =	strace s2  }
0x97: {  	_ =	strace $0x8FFFFFFF  }
0x98: {  	s18 =	sld [smem:$0x3FDB];
	_ =	sdelay $0x1  }
0x99: {  	s19 =	simm.s32 $_scs_section_size  }
0x9a: {  	s4 =	simm.s32 $_size__tile_overlayer_lowered;
	s5 =	simm.s32 $_tile_overlayer_lowered  }
0x9b: {  	s22 =	simm.s32 $0x1BFF;
	s21 =	sshll.u32 s5, $0x1;
	s2 =	sadd.s32 s19, s18  }
0x9c: {  	s6 =	simm.s32 $0x0;
	s20 =	sshll.u32 s4, $0x1;
	s4 =	sadd.s32 s21, s2  }
0x9d: {  	[timem:s6], [sflag:s22] =	dma.local [hbm:s4], s20  }
0x9e: {  	_ =	swait.ge [sflag:s22], s20  }
0x9f: {  	s3 =	ssub.s32 $0x0, s20;
	[sflag:s22] =	ssyncset.done $0x0  }
0xa0: {  	[sflag:s22] =	ssyncadd.s32 s3;
	_ =	sdelay $0x1  }
0xa1: {  	s23 =	simm.s32 $0x1B8B  }
0xa2: {  	_ =	swait.ge [sflag:s23], $0x1  }
0xa3: {  	[sflag:s23] =	ssyncset.done $0x0  }
0xa4: {  	s25 =	simm.s32 $0x1B8E;
	s24 =	sld [smem:$0x3FFE];
	[sflag:s23] =	ssyncadd.s32 $0xFFFFFFFF  }
0xa5: {  	s26 =	simm.s32 $execute0_lowered;
	[smem:$0x3FD2] =	sst s25  }
0xa6: {  	s4 =	sshll.u32 s26, $0x1;
	_ =	strace $0x80000046;
	[dreg:$0x1] =	wrdreg $0xFFFFFFFF  }
0xa7: {  	s28 =	simm.s32 $_size_execute0_lowered;
	s2 =	sadd.s32 s2, s4;
	[dreg:$0x0] =	wrdreg $0x0  }
0xa8: {  	s4 =	sshll.u32 s28, $0x1;
	[dreg:$0x2] =	wrdreg s2  }
0xa9: {  	[dreg:$0x3] =	wrdreg s4  }
0xaa: {  	[dreg:$0x4] =	wrdreg $0xC0  }
0xab: {  	_ =	task [dreg:s6], $0x5FFFF  }
0xac: {  	[dreg:$0x1] =	wrdreg $0xFFFFFFFF  }
0xad: {  	[dreg:$0x0] =	wrdreg $0x60  }
0xae: {  	[dreg:$0x2] =	wrdreg s24  }
0xaf: {  	[dreg:$0x3] =	wrdreg $0x0  }
0xb0: {  	[dreg:$0x4] =	wrdreg $0x9  }
0xb1: {  	_ =	task.clear_ibuf [dreg:s6], $0x5FFFF;
	_ =	strace $0x90000046  }
0xb2: {  	s29 =	simm.s32 $0x9;
	_ =	strace $0x80000048  }
0xb3: {  	_ =	swait.ge [sflag:s29], $0x1  }
0xb4: {  	[sflag:s29] =	ssyncadd.s32 $0xFFFFFFFF  }
0xb5: {  	_ =	strace $0x90000048  }
0xb6: {  	_ =	sfence  }
0xb7: {  	s30 =	sld [smem:$0x0];
	_ =	sdelay $0x2  }
0xb8: {  	s31 =	sshll.u32 s1, $0xD;
	s1 =	sshrl.u32 s1, $0x2  }
0xb9: {  	s3 =	sand.u32 $0x4000, s31;
	s1 =	sadd.s32 s1, s30  }
0xba: {  	s0 =	sor.u32 s3, s0;
	s1 =	sshll.u32 s1, $0x11  }
0xbb: {  	s0 =	sor.u32 s1, s0  }
0xbc: {  	s0 =	sadd.s32 $0x8F2B, s0  }
0xbd: {  	[sflag:s0] =	ssyncadd.remote.s32 $0x1  }
0xbe: {  	_ =	sfence.sel $0xFFFF  }
0xbf: {  	[dreg:$0x0] =	wrdreg $0xFFFFFFFF;
	(pc) =	sbr.abs _section_cstart, $3  }
0xc0: {  	[dreg:$0x1] =	wrdreg $0xFFFFFFFF  }
0xc1: {  	_ =	task.clear_ibuf [dreg:s6], $0x2FFFF;
	_ =	strace $0x9FFFFFFF  }
0xc2: {  	(tm) =	ssettm $0x7FFFFFFF  }
0xc3: {  	_ =	shalt  }
tec
execute0_lowered:
.L_overlay_start_1:
0x0: {  	(tag) =	ssettag $0x1  }
0x1: {  	s4 =	rddreg [dreg:$0x0];
	s0 =	srdreg.scid  }
0x2: {  	s2 =	rddreg [dreg:$0x1];
	s1 =	stileid.u32;
	s3 =	simm.s32 $0x0  }
0x3: {  	s5 =	sand.u32 $0x1, s0;
	s0 =	rddreg [dreg:$0x2];
	s7 =	smul.u32 $0x50000, s1  }
0x4: {  	[smem:$0x7FF] =	sst s3;
	s14 =	smul.u32 $0x14000, s1  }
0x5: {  	s16 =	sadd.s32 $0xFA00, s4;
	s6 =	smul.u32 $0x4F00, s5;
	s22 =	ssub.s32 $0x2, s5  }
0x6: {  	s13 =	smul.u32 $0x140000, s5;
	_ =	strace $0x80000047;
	s5 =	sshrl.u32 s22, $0x1  }
0x7: {  	s23 =	sshrl.u32 s7, $0x2;
	s12 =	sadd.s32 $0x4000, s14;
	s17 =	sadd.s32 $0x8000, s14  }
0x8: {  	s28 =	sadd.s32 $0xC000, s14;
	s20 =	sadd.s32 $0x10000, s14;
	s15 =	sadd.s32 s6, s4  }
0x9: {  	s24 =	sadd.s32 s13, s14;
	s8 =	ssub.s32 s22, s5;
	s4 =	sadd.s32 s23, s2  }
0xa: {  	s10 =	sadd.s32 s13, s12;
	s18 =	sadd.s32 s13, s17;
	s21 =	sadd.s32 s12, s2  }
0xb: {  	s19 =	sadd.s32 s13, s28;
	s30 =	sadd.s32 s13, s20;
	s22 =	smul.u32 $0x4F0, s1  }
0xc: {  	s23 =	sadd.s32 s17, s2;
	s17 =	simm.s32 $0x1;
	s25 =	sshrl.u32 s24, $0x3  }
0xd: {  	s6 =	smax.u32 s8, $0x1;
	s7 =	sadd.s32 $0x4000, s4;
	s8 =	sadd.s32 $0x8000, s4  }
0xe: {  	s9 =	sadd.s32 $0xC000, s4;
	s11 =	sshrl.u32 s10, $0x3;
	s10 =	sadd.s32 $0x10000, s4  }
0xf: {  	s26 =	sshrl.u32 s18, $0x3;
	s29 =	sshrl.u32 s19, $0x3;
	s31 =	sshrl.u32 s30, $0x3  }
0x10: {  	s24 =	sadd.s32 s28, s2;
	s18 =	simm.s32 $0x1C000;
	s19 =	simm.s32 $0x80  }
0x11: {  	s21 =	sshrl.u32 s21, $0x3;
	s5 =	sadd.s32 s16, s25;
	s11 =	sadd.s32 s16, s11  }
0x12: {  	s12 =	sadd.s32 s16, s26;
	s13 =	sadd.s32 s16, s29;
	s14 =	sadd.s32 s16, s31  }
0x13: {  	s15 =	sadd.s32 s22, s15;
	s25 =	sadd.s32 s20, s2;
	s16 =	simm.s32 $0x18000  }
0x14: {  	s20 =	simm.s32 $0x14000;
	s22 =	sshrl.u32 s23, $0x3;
	s23 =	sshrl.u32 s24, $0x3  }
0x15: {  	v0 =	vimm.f32 $1.000000000e+00;
	v1 =	vimm.f32 $0.0e+00;
	s15 =	sadd.s32 $0x5C00, s15;
	s24 =	sshrl.u32 s25, $0x3;
	s25 =	simm.s32 $0x0  }
.LBB2_1:
0x16: {  	s26 =	simm.s32 $0x0;
	s28 =	simm.s32 $0x200  }
.LBB2_2:
0x17: {  	p0 =	sne.s32 s28, $0xFE00;
	[tilespmem:s26+$0x18070] =	vst v1  }
0x18: {  	[tilespmem:s26+$0x14000] =	vst v0  }
0x19: {  	[tilespmem:s26+$0x18000] =	vst v1  }
0x1a: {  	[tilespmem:s26+$0x14010] =	vst v0  }
0x1b: {  	[tilespmem:s26+$0x18010] =	vst v1  }
0x1c: {  	[tilespmem:s26+$0x14020] =	vst v0  }
0x1d: {  	[tilespmem:s26+$0x18020] =	vst v1  }
0x1e: {  	[tilespmem:s26+$0x14030] =	vst v0  }
0x1f: {  	[tilespmem:s26+$0x18030] =	vst v1  }
0x20: {  	[tilespmem:s26+$0x14040] =	vst v0  }
0x21: {  	[tilespmem:s26+$0x18040] =	vst v1  }
.Ltmp0:
0x22: {  	[tilespmem:s26+$0x14050] =	vst v0;
	(pc) =	sbr.rel @p0 .LBB2_2-.Ltmp0, $4  }
0x23: {  	[tilespmem:s26+$0x18050] =	vst v1  }
0x24: {  	[tilespmem:s26+$0x14060] =	vst v0  }
0x25: {  	[tilespmem:s26+$0x18060] =	vst v1  }
0x26: {  	[tilespmem:s26+$0x14070] =	vst v0;
	s26 =	sshra.s32 s28, $0x2;
	s28 =	sadd.s32 $0x200, s28  }
0x27: {  	[tilespmem:s26+$0x18070] =	vst v1  }
0x28: {  	[tilespmem:s26+$0x14000] =	vst v0  }
0x29: {  	[tilespmem:s26+$0x18000] =	vst v1  }
0x2a: {  	[tilespmem:s26+$0x14010] =	vst v0  }
0x2b: {  	[tilespmem:s26+$0x18010] =	vst v1  }
0x2c: {  	[tilespmem:s26+$0x14020] =	vst v0  }
0x2d: {  	[tilespmem:s26+$0x18020] =	vst v1  }
0x2e: {  	[tilespmem:s26+$0x14030] =	vst v0  }
0x2f: {  	[tilespmem:s26+$0x18030] =	vst v1  }
0x30: {  	[tilespmem:s26+$0x14040] =	vst v0  }
0x31: {  	[tilespmem:s26+$0x18040] =	vst v1  }
0x32: {  	[tilespmem:s26+$0x14050] =	vst v0  }
0x33: {  	[tilespmem:s26+$0x18050] =	vst v1  }
0x34: {  	[tilespmem:s26+$0x14060] =	vst v0  }
0x35: {  	[tilespmem:s26+$0x18060] =	vst v1  }
0x36: {  	[tilespmem:s26+$0x14070] =	vst v0  }
0x37: {  	[spmem:s4] =	stream.linear.scatter [tilespmem:s16], [sflag:$0x1], $0x4000, $0x38;
	[tilespmem:$0x1C080] =	vst v63  }
0x38: {  	_ =	swait.ge [sflag:s17], $0x4000  }
0x39: {  	[sflag:s17] =	ssyncset.done $0x0  }
0x3a: {  	[sflag:s17] =	ssyncadd.s32 $0xFFFFC000  }
0x3b: {  	[spmem:s7] =	stream.linear.scatter [tilespmem:s16], [sflag:$0x1], $0x4000, $0x38;
	[tilespmem:$0x1C080] =	vst v63  }
0x3c: {  	_ =	swait.ge [sflag:s17], $0x4000  }
0x3d: {  	[sflag:s17] =	ssyncset.done $0x0  }
0x3e: {  	[sflag:s17] =	ssyncadd.s32 $0xFFFFC000  }
0x3f: {  	[spmem:s8] =	stream.linear.scatter [tilespmem:s16], [sflag:$0x1], $0x4000, $0x38;
	[tilespmem:$0x1C080] =	vst v63  }
0x40: {  	_ =	swait.ge [sflag:s17], $0x4000  }
0x41: {  	[sflag:s17] =	ssyncset.done $0x0  }
0x42: {  	[sflag:s17] =	ssyncadd.s32 $0xFFFFC000  }
0x43: {  	[spmem:s9] =	stream.linear.scatter [tilespmem:s16], [sflag:$0x1], $0x4000, $0x38;
	[tilespmem:$0x1C080] =	vst v63  }
0x44: {  	_ =	swait.ge [sflag:s17], $0x4000  }
0x45: {  	[sflag:s17] =	ssyncset.done $0x0  }
0x46: {  	[sflag:s17] =	ssyncadd.s32 $0xFFFFC000  }
0x47: {  	[spmem:s10] =	stream.linear.scatter [tilespmem:s16], [sflag:$0x1], $0x4000, $0x38;
	[tilespmem:$0x1C080] =	vst v63  }
0x48: {  	_ =	swait.ge [sflag:s17], $0x4000  }
0x49: {  	[sflag:s17] =	ssyncset.done $0x0  }
0x4a: {  	[sflag:s17] =	ssyncadd.s32 $0xFFFFC000  }
0x4b: {  	s31 =	sadd.s32 $0x0, s15;
	[bflag:$0x0] =	sbarrier.arrive $0xFFFF  }
0x4c: {  	[tilespmem:s18], [sflag:$0x1] =	stream.linear.gather [hbm4b:s31+s3], $0x80, $0x38;
	[tilespmem:$0x1C080] =	vst v63  }
0x4d: {  	_ =	swait.ge [sflag:s17], $0x80  }
0x4e: {  	[sflag:s17] =	ssyncset.done $0x0  }
0x4f: {  	[sflag:s17] =	ssyncadd.s32 $0xFFFFFF80  }
0x50: {  	[spmem:s2] =	stream.indirect.scatter.add.f32 [tilespmem:s20], [sflag:$0x1], $0x80, s18, s19, $0xb8;
	[tilespmem:$0x1C080] =	vst v63  }
0x51: {  	_ =	swait.ge [sflag:s17], $0x4000  }
0x52: {  	s26 =	simm.s32 $0x10;
	s28 =	simm.s32 $0x20;
	[sflag:s17] =	ssyncset.done $0x0  }
.LBB2_4:
0x53: {  	s29 =	sadd.s32 s26, s15  }
0x54: {  	[sflag:s17] =	ssyncadd.s32 $0xFFFFC000;
	s26 =	smov.u32 s28;
	s30 =	sadd.s32 $0x10, s28  }
0x55: {  	[tilespmem:s18], [sflag:$0x1] =	stream.linear.gather [hbm4b:s29+s3], $0x80, $0x38;
	[tilespmem:$0x1C080] =	vst v63  }
0x56: {  	p0 =	sne.s32 s28, $0x4E0;
	_ =	swait.ge [sflag:s17], $0x80  }
.Ltmp1:
0x57: {  	[sflag:s17] =	ssyncset.done $0x0;
	(pc) =	sbr.rel @p0 .LBB2_4-.Ltmp1, $4  }
0x58: {  	[sflag:s17] =	ssyncadd.s32 $0xFFFFFF80  }
0x59: {  	[spmem:s2] =	stream.indirect.scatter.add.f32 [tilespmem:s20], [sflag:$0x1], $0x80, s18, s19, $0xb8;
	[tilespmem:$0x1C080] =	vst v63  }
0x5a: {  	_ =	swait.ge [sflag:s17], $0x4000  }
0x5b: {  	s28 =	smov.u32 s30;
	[sflag:s17] =	ssyncset.done $0x0  }
0x5c: {  	s26 =	sadd.s32 s26, s15;
	[sflag:s17] =	ssyncadd.s32 $0xFFFFC000  }
0x5d: {  	[tilespmem:s18], [sflag:$0x1] =	stream.linear.gather [hbm4b:s26+s3], $0x80, $0x38;
	[tilespmem:$0x1C080] =	vst v63  }
0x5e: {  	_ =	swait.ge [sflag:s17], $0x80  }
0x5f: {  	[sflag:s17] =	ssyncset.done $0x0  }
0x60: {  	[sflag:s17] =	ssyncadd.s32 $0xFFFFFF80  }
0x61: {  	[spmem:s2] =	stream.indirect.scatter.add.f32 [tilespmem:s20], [sflag:$0x1], $0x80, s18, s19, $0xb8;
	[tilespmem:$0x1C080] =	vst v63  }
0x62: {  	_ =	swait.ge [sflag:s17], $0x4000  }
0x63: {  	[sflag:s17] =	ssyncset.done $0x0  }
0x64: {  	s31 =	sshll.u32 s1, $0x6;
	[sflag:s17] =	ssyncadd.s32 $0xFFFFC000  }
0x65: {  	s28 =	sshrl.u32 s4, $0x3;
	s26 =	sor.u32 $0x1C01, s31;
	[bflag:$0x0] =	sbarrier.arrive $0xFFFF  }
0x66: {  	[hbm:s5], [sflag:s26] =	dma.local [spmem:s28], $0x800  }
0x67: {  	_ =	swait.ge [sflag:s17], $0x800  }
0x68: {  	[sflag:s17] =	ssyncset.done $0x0  }
0x69: {  	[sflag:s17] =	ssyncadd.s32 $0xFFFFF800  }
0x6a: {  	[hbm:s11], [sflag:s26] =	dma.local [spmem:s21], $0x800  }
0x6b: {  	_ =	swait.ge [sflag:s17], $0x800  }
0x6c: {  	[sflag:s17] =	ssyncset.done $0x0  }
0x6d: {  	[sflag:s17] =	ssyncadd.s32 $0xFFFFF800  }
0x6e: {  	[hbm:s12], [sflag:s26] =	dma.local [spmem:s22], $0x800  }
0x6f: {  	_ =	swait.ge [sflag:s17], $0x800  }
0x70: {  	[sflag:s17] =	ssyncset.done $0x0  }
0x71: {  	[sflag:s17] =	ssyncadd.s32 $0xFFFFF800  }
0x72: {  	[hbm:s13], [sflag:s26] =	dma.local [spmem:s23], $0x800  }
0x73: {  	s25 =	sadd.s32 $0x1, s25;
	_ =	swait.ge [sflag:s17], $0x800  }
0x74: {  	p0 =	sne.s32 s25, s6;
	[sflag:s17] =	ssyncset.done $0x0  }
.Ltmp2:
0x75: {  	[sflag:s17] =	ssyncadd.s32 $0xFFFFF800;
	(pc) =	sbr.rel @p0 .LBB2_1-.Ltmp2, $4  }
0x76: {  	[hbm:s14], [sflag:s26] =	dma.local [spmem:s24], $0x800  }
0x77: {  	_ =	swait.ge [sflag:s17], $0x800  }
0x78: {  	[sflag:s17] =	ssyncset.done $0x0  }
0x79: {  	[sflag:s17] =	ssyncadd.s32 $0xFFFFF800  }
0x7a: {  	_ =	sfence.sel $0x180000  }
0x7b: {  	[bflag:$0x0] =	sbarrier.arrive $0xFFFF  }
0x7c: {  	p0 =	sne.s32 s1, $0x0;
	_ =	strace $0x90000047  }
0x7d: {  	s0 =	sadd.s32 @!p0 $0x100000, s0;
	[bflag:$0x2] =	sbarrier.arrive $0xFFFF  }
0x7e: {  	[sflag:s0] =	ssyncadd.tile.s32 @!p0 $0x1;
	_ =	shalt  }
.Lfunc_end2:
_tile_overlayer_lowered:
.L_overlay_start_2:
0x7f: {  	(tag) =	ssettag $0x2  }
0x80: {  	s0 =	rddreg [dreg:$0x0];
	s2 =	stileid.u32  }
0x81: {  	s1 =	rddreg [dreg:$0x1];
	p0 =	sne.s32 s2, $0x0  }
0x82: {  	s3 =	rddreg [dreg:$0x2];
	[bflag:$0x3] =	sbarrier.arrive $0xFFFF;
	s2 =	simm.s32 @!p0 $0x1C01  }
0x83: {  	[timem:s3], [sflag:s2] =	dma.local @!p0 [hbm:s0], s1  }
0x84: {  	s0 =	simm.s32 @!p0 $0x1  }
0x85: {  	_ =	swait.ge @!p0 [sflag:s0], s1  }
0x86: {  	s1 =	ssub.s32 @!p0 $0x0, s1;
	[sflag:s0] =	ssyncset.done @!p0 $0x0  }
0x87: {  	[sflag:s0] =	ssyncadd.s32 @!p0 s1  }
0x88: {  	[bflag:$0x3] =	sbarrier.arrive $0xFFFF  }
0x89: {  	_ =	shalt  }

</sc_bundles>
